<compile_context>
chip_gen: v7x
topology: tpu7x:2x2x1
jax: 0.10.2.dev20260603
libtpu: 0.0.44.dev20260713+nightly
codegen_flags: <defaults>
</compile_context>

<pallas_src>
import functools

import jax
import jax.numpy as jnp
from jax import lax
from jax.experimental import pallas as pl
from jax.experimental.pallas import tpu as pltpu
from jax.experimental.pallas import tpu_sc as plsc

SEN = 10
ROWS = 16384
EMB = 64
B = ROWS * SEN

NC = 2
NS = 16
NW = NC * NS
B_PER_W = B // NW
SENT_PER_W = ROWS // NW
CHUNK = 640
NCHUNK = B_PER_W // CHUNK
GROUPS_PER_CHUNK = (SENT_PER_W // 16) // NCHUNK


def _lengths_for_chunk(c, idx_v, len_v):
    def sent_group(g, carry):
        lvec = (c * GROUPS_PER_CHUNK + g) * 16 + lax.iota(jnp.int32, 16)
        pos0 = lvec * SEN
        cnt = jnp.zeros((16,), jnp.int32)
        for j in range(SEN):
            v = plsc.load_gather(idx_v, [pos0 + j])
            cnt = cnt + jnp.minimum(v, 1)
        n = jnp.maximum(cnt, 1).astype(jnp.float32)
        len_v[pl.ds((c * GROUPS_PER_CHUNK + g) * 16, 16)] = n
        return carry

    lax.fori_loop(0, GROUPS_PER_CHUNK, sent_group, 0)


def _body(ids_hbm, table_hbm, out_hbm, len_hbm, idx_v, rows0_v, rows1_v,
          len_v, gsem0, gsem1, ssem0, ssem1):
    wid = lax.axis_index("s") * NC + lax.axis_index("c")
    base = wid * B_PER_W
    sbase = wid * SENT_PER_W
    bufs = (rows0_v, rows1_v)
    gsems = (gsem0, gsem1)
    ssems = (ssem0, ssem1)

    pltpu.sync_copy(ids_hbm.at[pl.ds(base, B_PER_W)], idx_v)

    def gather(c):
        return pltpu.async_copy(
            table_hbm.at[idx_v.at[pl.ds(c * CHUNK, CHUNK)]],
            bufs[c % 2],
            gsems[c % 2],
        )

    gcp = gather(0)
    scp = None
    for c in range(NCHUNK):
        b = c % 2
        if scp is not None:
            scp.wait()
        ngcp = gather(c + 1) if c + 1 < NCHUNK else None
        _lengths_for_chunk(c, idx_v, len_v)
        gcp.wait()
        scp = pltpu.async_copy(
            bufs[b], out_hbm.at[pl.ds(base + c * CHUNK, CHUNK)], ssems[b]
        )
        gcp = ngcp
    scp.wait()
    pltpu.sync_copy(len_v, len_hbm.at[pl.ds(sbase, SENT_PER_W)])


@jax.jit
def _emb_lookup(ids_flat, table):
    mesh = plsc.VectorSubcoreMesh(core_axis_name="c", subcore_axis_name="s")
    return pl.kernel(
        _body,
        out_type=(
            jax.ShapeDtypeStruct((B, EMB), jnp.float32),
            jax.ShapeDtypeStruct((ROWS,), jnp.float32),
        ),
        mesh=mesh,
        compiler_params=pltpu.CompilerParams(
            needs_layout_passes=False, use_tc_tiling_on_sc=False
        ),
        scratch_types=[
            pltpu.VMEM((B_PER_W,), jnp.int32),
            pltpu.VMEM((CHUNK, EMB), jnp.float32),
            pltpu.VMEM((CHUNK, EMB), jnp.float32),
            pltpu.VMEM((SENT_PER_W,), jnp.float32),
            pltpu.SemaphoreType.DMA,
            pltpu.SemaphoreType.DMA,
            pltpu.SemaphoreType.DMA,
            pltpu.SemaphoreType.DMA,
        ],
    )(ids_flat, table)


def kernel(ids, table):
    ids_flat = ids.astype(jnp.int32).reshape(B)
    emb_flat, length = _emb_lookup(ids_flat, table)
    return emb_flat.reshape(ROWS, SEN, EMB), length

# --- scband reference (transcript-rebuilt; emitter-appended) ---
"""Pipeline reference for scband-embedding-5282809774412 (READ-ONLY COPY).

The authoritative reference and input builder live on the scoring server;
editing this copy changes nothing except your own understanding.
"""

import jax, jax.numpy as jnp
import numpy as np

VOCAB = 91170  # vocab_size + 2
EMB = 64
SEN_MAXL = 10

def setup_inputs(seed: int = 0) -> dict:
    key = jax.random.key(seed)
    k1, k2 = jax.random.split(key)
    ids = jax.random.randint(k1, (16384, SEN_MAXL), 0, VOCAB)
    table = jax.random.normal(k2, (VOCAB, EMB), dtype=jnp.float32)
    table = table.at[0].set(0.0)  # padding_idx=0 row is zeros
    return {"ids": ids, "table": table}

def reference(ids, table):
    ids2 = ids.reshape(-1, SEN_MAXL)
    # nn.Embedding lookup with padding_idx=0 (row 0 forced to zero)
    tbl = table.at[0].set(0.0)
    emb = jnp.take(tbl, ids2, axis=0)
    # length = (1 + |2 * count_nonzero - 1|) / 2  -> max(count_nonzero, 1), float
    n_nonzero = jnp.sum(ids2 != 0, axis=1).astype(jnp.int32)
    length = (1 + jnp.abs(2 * n_nonzero - 1)) / 2
    return (emb, length)

if __name__ == "__main__":
    import jax
    _d = setup_inputs()
    print(jax.jit(kernel)(*tuple(_d.values())))

</pallas_src>

<mosaic_0001>
#map = affine_map<(d0, d1) -> (0)>
#map1 = affine_map<(d0, d1) -> (0, 0)>
module attributes {stable_mosaic.version = 14 : i64} {
  func.func @_body(%arg0: i32, %arg1: i32, %arg2: memref<163840xi32, #tpu.memory_space<hbm>>, %arg3: memref<91170x64xf32, #tpu.memory_space<hbm>>, %arg4: memref<163840x64xf32, #tpu.memory_space<hbm>>, %arg5: memref<16384xf32, #tpu.memory_space<hbm>>, %arg6: memref<5120xi32, #tpu.memory_space<vmem>>, %arg7: memref<640x64xf32, #tpu.memory_space<vmem>>, %arg8: memref<640x64xf32, #tpu.memory_space<vmem>>, %arg9: memref<512xf32, #tpu.memory_space<vmem>>, %arg10: memref<!tpu.dma_semaphore, #tpu.memory_space<semaphore_mem>>, %arg11: memref<!tpu.dma_semaphore, #tpu.memory_space<semaphore_mem>>, %arg12: memref<!tpu.dma_semaphore, #tpu.memory_space<semaphore_mem>>, %arg13: memref<!tpu.dma_semaphore, #tpu.memory_space<semaphore_mem>>) attributes {dimension_semantics = [#tpu.dimension_semantics<core_parallel>, #tpu.dimension_semantics<subcore_parallel>], iteration_bounds = array<i64: 2, 16>, scalar_prefetch = 0 : i64, scratch_operands = 8 : i64, tpu.core_type = #tpu.core_type<sc_vector_subcore>, window_params = [{transform_indices = #map}, {transform_indices = #map1}, {transform_indices = #map1}, {transform_indices = #map}]} {
    %mul3A = arith.constant 2 : i32
    %mul3A_0 = arith.muli %arg1, %mul3A : i32
    %add3A = arith.addi %mul3A_0, %arg0 : i32
    %mul3A_1 = arith.constant 5120 : i32
    %mul3A_2 = arith.muli %add3A, %mul3A_1 : i32
    %mul3A_3 = arith.constant 512 : i32
    %mul3A_4 = arith.muli %add3A, %mul3A_3 : i32
    "tpu.region"() ({
      %run_scoped3A = tpu.sem_alloc : memref<!tpu.dma_semaphore, #tpu.memory_space<semaphore_mem>>
      %dma_start3A_210 = tpu.memref_slice %arg2[%mul3A_2] : memref<163840xi32, #tpu.memory_space<hbm>> -> memref<5120xi32, #tpu.memory_space<hbm>>
      %dma_start3A_211 = tpu.memref_slice %arg2[%mul3A_2] : memref<163840xi32, #tpu.memory_space<hbm>> -> memref<5120xi32, #tpu.memory_space<hbm>>
      tpu.enqueue_dma source(%dma_start3A_211 : memref<5120xi32, #tpu.memory_space<hbm>>) target(%arg6 : memref<5120xi32, #tpu.memory_space<vmem>>) target_semaphore(%run_scoped3A : memref<!tpu.dma_semaphore, #tpu.memory_space<semaphore_mem>>)
      %dma_wait3A_212 = tpu.memref_slice %arg2[%mul3A_2] : memref<163840xi32, #tpu.memory_space<hbm>> -> memref<5120xi32, #tpu.memory_space<hbm>>
      %dma_wait3A_213 = tpu.memref_slice %arg2[%mul3A_2] : memref<163840xi32, #tpu.memory_space<hbm>> -> memref<5120xi32, #tpu.memory_space<hbm>>
      tpu.wait_dma2 semaphore(%run_scoped3A : memref<!tpu.dma_semaphore, #tpu.memory_space<semaphore_mem>>) src(%dma_wait3A_213 : memref<5120xi32, #tpu.memory_space<hbm>>) dst(%arg6 : memref<5120xi32, #tpu.memory_space<vmem>>)
      tpu.yield
    }) : () -> ()
    %dma_start3A = arith.constant 0 : i32
    %dma_start3A_5 = tpu.memref_slice %arg6[%dma_start3A] : memref<5120xi32, #tpu.memory_space<vmem>> -> memref<640xi32, #tpu.memory_space<vmem>>
    %dma_start3A_6 = arith.constant 0 : i32
    %dma_start3A_7 = arith.constant 0 : i32
    %dma_start3A_8 = tpu.memref_slice %arg3[%dma_start3A_6, %dma_start3A_7] : memref<91170x64xf32, #tpu.memory_space<hbm>> -> memref<91170x64xf32, #tpu.memory_space<hbm>>
    tpu.enqueue_indirect_dma source(%dma_start3A_8 : memref<91170x64xf32, #tpu.memory_space<hbm>>) target(%arg7 : memref<640x64xf32, #tpu.memory_space<vmem>>) offsets(%dma_start3A_5 : memref<640xi32, #tpu.memory_space<vmem>>) semaphore(%arg10 : memref<!tpu.dma_semaphore, #tpu.memory_space<semaphore_mem>>)
    %dma_start3A_9 = arith.constant 640 : i32
    %dma_start3A_10 = tpu.memref_slice %arg6[%dma_start3A_9] : memref<5120xi32, #tpu.memory_space<vmem>> -> memref<640xi32, #tpu.memory_space<vmem>>
    %dma_start3A_11 = arith.constant 0 : i32
    %dma_start3A_12 = arith.constant 0 : i32
    %dma_start3A_13 = tpu.memref_slice %arg3[%dma_start3A_11, %dma_start3A_12] : memref<91170x64xf32, #tpu.memory_space<hbm>> -> memref<91170x64xf32, #tpu.memory_space<hbm>>
    tpu.enqueue_indirect_dma source(%dma_start3A_13 : memref<91170x64xf32, #tpu.memory_space<hbm>>) target(%arg8 : memref<640x64xf32, #tpu.memory_space<vmem>>) offsets(%dma_start3A_10 : memref<640xi32, #tpu.memory_space<vmem>>) semaphore(%arg11 : memref<!tpu.dma_semaphore, #tpu.memory_space<semaphore_mem>>)
    %scan3A = arith.constant 0 : i32
    %scan3A_14 = arith.constant 0 : i32
    %scan3A_15 = arith.constant 4 : i32
    %scan3A_16 = arith.addi %scan3A_14, %scan3A_15 : i32
    %scan3A_17 = arith.constant 1 : i32
    scf.for %scan3A_210 = %scan3A_14 to %scan3A_16 step %scan3A_17  : i32 {
      %add3A_211 = arith.constant 0 : i32
      %add3A_212 = arith.addi %add3A_211, %scan3A_210 : i32
      %mul3A_213 = arith.constant 16 : i32
      %mul3A_214 = arith.muli %add3A_212, %mul3A_213 : i32
      %iota3A = tpu.iota {dimensions = array<i32: 0>} : vector<16xi32>
      %add3A_215 = vector.broadcast %mul3A_214 : i32 to vector<16xi32>
      %add3A_216 = arith.addi %add3A_215, %iota3A : vector<16xi32>
      %mul3A_217 = arith.constant 10 : i32
      %mul3A_218 = vector.broadcast %mul3A_217 : i32 to vector<16xi32>
      %mul3A_219 = arith.muli %add3A_216, %mul3A_218 : vector<16xi32>
      %broadcast_in_dim3A = arith.constant 0 : i32
      %broadcast_in_dim3A_220 = vector.broadcast %broadcast_in_dim3A : i32 to vector<16xi32>
      %add3A_221 = arith.constant 0 : i32
      %add3A_222 = vector.broadcast %add3A_221 : i32 to vector<16xi32>
      %add3A_223 = arith.addi %mul3A_219, %add3A_222 : vector<16xi32>
      %gather3A = tpu.vector_load_idx %arg6[%add3A_223] : memref<5120xi32, #tpu.memory_space<vmem>>[vector<16xi32>], vector<16xi32>,
      %min3A = arith.constant 1 : i32
      %min3A_224 = vector.broadcast %min3A : i32 to vector<16xi32>
      %min3A_225 = arith.minsi %gather3A, %min3A_224 : vector<16xi32>
      %add3A_226 = arith.addi %broadcast_in_dim3A_220, %min3A_225 : vector<16xi32>
      %add3A_227 = arith.constant 1 : i32
      %add3A_228 = vector.broadcast %add3A_227 : i32 to vector<16xi32>
      %add3A_229 = arith.addi %mul3A_219, %add3A_228 : vector<16xi32>
      %gather3A_230 = tpu.vector_load_idx %arg6[%add3A_229] : memref<5120xi32, #tpu.memory_space<vmem>>[vector<16xi32>], vector<16xi32>,
      %min3A_231 = arith.constant 1 : i32
      %min3A_232 = vector.broadcast %min3A_231 : i32 to vector<16xi32>
      %min3A_233 = arith.minsi %gather3A_230, %min3A_232 : vector<16xi32>
      %add3A_234 = arith.addi %add3A_226, %min3A_233 : vector<16xi32>
      %add3A_235 = arith.constant 2 : i32
      %add3A_236 = vector.broadcast %add3A_235 : i32 to vector<16xi32>
      %add3A_237 = arith.addi %mul3A_219, %add3A_236 : vector<16xi32>
      %gather3A_238 = tpu.vector_load_idx %arg6[%add3A_237] : memref<5120xi32, #tpu.memory_space<vmem>>[vector<16xi32>], vector<16xi32>,
      %min3A_239 = arith.constant 1 : i32
      %min3A_240 = vector.broadcast %min3A_239 : i32 to vector<16xi32>
      %min3A_241 = arith.minsi %gather3A_238, %min3A_240 : vector<16xi32>
      %add3A_242 = arith.addi %add3A_234, %min3A_241 : vector<16xi32>
      %add3A_243 = arith.constant 3 : i32
      %add3A_244 = vector.broadcast %add3A_243 : i32 to vector<16xi32>
      %add3A_245 = arith.addi %mul3A_219, %add3A_244 : vector<16xi32>
      %gather3A_246 = tpu.vector_load_idx %arg6[%add3A_245] : memref<5120xi32, #tpu.memory_space<vmem>>[vector<16xi32>], vector<16xi32>,
      %min3A_247 = arith.constant 1 : i32
      %min3A_248 = vector.broadcast %min3A_247 : i32 to vector<16xi32>
      %min3A_249 = arith.minsi %gather3A_246, %min3A_248 : vector<16xi32>
      %add3A_250 = arith.addi %add3A_242, %min3A_249 : vector<16xi32>
      %add3A_251 = arith.constant 4 : i32
      %add3A_252 = vector.broadcast %add3A_251 : i32 to vector<16xi32>
      %add3A_253 = arith.addi %mul3A_219, %add3A_252 : vector<16xi32>
      %gather3A_254 = tpu.vector_load_idx %arg6[%add3A_253] : memref<5120xi32, #tpu.memory_space<vmem>>[vector<16xi32>], vector<16xi32>,
      %min3A_255 = arith.constant 1 : i32
      %min3A_256 = vector.broadcast %min3A_255 : i32 to vector<16xi32>
      %min3A_257 = arith.minsi %gather3A_254, %min3A_256 : vector<16xi32>
      %add3A_258 = arith.addi %add3A_250, %min3A_257 : vector<16xi32>
      %add3A_259 = arith.constant 5 : i32
      %add3A_260 = vector.broadcast %add3A_259 : i32 to vector<16xi32>
      %add3A_261 = arith.addi %mul3A_219, %add3A_260 : vector<16xi32>
      %gather3A_262 = tpu.vector_load_idx %arg6[%add3A_261] : memref<5120xi32, #tpu.memory_space<vmem>>[vector<16xi32>], vector<16xi32>,
      %min3A_263 = arith.constant 1 : i32
      %min3A_264 = vector.broadcast %min3A_263 : i32 to vector<16xi32>
      %min3A_265 = arith.minsi %gather3A_262, %min3A_264 : vector<16xi32>
      %add3A_266 = arith.addi %add3A_258, %min3A_265 : vector<16xi32>
      %add3A_267 = arith.constant 6 : i32
      %add3A_268 = vector.broadcast %add3A_267 : i32 to vector<16xi32>
      %add3A_269 = arith.addi %mul3A_219, %add3A_268 : vector<16xi32>
      %gather3A_270 = tpu.vector_load_idx %arg6[%add3A_269] : memref<5120xi32, #tpu.memory_space<vmem>>[vector<16xi32>], vector<16xi32>,
      %min3A_271 = arith.constant 1 : i32
      %min3A_272 = vector.broadcast %min3A_271 : i32 to vector<16xi32>
      %min3A_273 = arith.minsi %gather3A_270, %min3A_272 : vector<16xi32>
      %add3A_274 = arith.addi %add3A_266, %min3A_273 : vector<16xi32>
      %add3A_275 = arith.constant 7 : i32
      %add3A_276 = vector.broadcast %add3A_275 : i32 to vector<16xi32>
      %add3A_277 = arith.addi %mul3A_219, %add3A_276 : vector<16xi32>
      %gather3A_278 = tpu.vector_load_idx %arg6[%add3A_277] : memref<5120xi32, #tpu.memory_space<vmem>>[vector<16xi32>], vector<16xi32>,
      %min3A_279 = arith.constant 1 : i32
      %min3A_280 = vector.broadcast %min3A_279 : i32 to vector<16xi32>
      %min3A_281 = arith.minsi %gather3A_278, %min3A_280 : vector<16xi32>
      %add3A_282 = arith.addi %add3A_274, %min3A_281 : vector<16xi32>
      %add3A_283 = arith.constant 8 : i32
      %add3A_284 = vector.broadcast %add3A_283 : i32 to vector<16xi32>
      %add3A_285 = arith.addi %mul3A_219, %add3A_284 : vector<16xi32>
      %gather3A_286 = tpu.vector_load_idx %arg6[%add3A_285] : memref<5120xi32, #tpu.memory_space<vmem>>[vector<16xi32>], vector<16xi32>,
      %min3A_287 = arith.constant 1 : i32
      %min3A_288 = vector.broadcast %min3A_287 : i32 to vector<16xi32>
      %min3A_289 = arith.minsi %gather3A_286, %min3A_288 : vector<16xi32>
      %add3A_290 = arith.addi %add3A_282, %min3A_289 : vector<16xi32>
      %add3A_291 = arith.constant 9 : i32
      %add3A_292 = vector.broadcast %add3A_291 : i32 to vector<16xi32>
      %add3A_293 = arith.addi %mul3A_219, %add3A_292 : vector<16xi32>
      %gather3A_294 = tpu.vector_load_idx %arg6[%add3A_293] : memref<5120xi32, #tpu.memory_space<vmem>>[vector<16xi32>], vector<16xi32>,
      %min3A_295 = arith.constant 1 : i32
      %min3A_296 = vector.broadcast %min3A_295 : i32 to vector<16xi32>
      %min3A_297 = arith.minsi %gather3A_294, %min3A_296 : vector<16xi32>
      %add3A_298 = arith.addi %add3A_290, %min3A_297 : vector<16xi32>
      %max3A = arith.constant 1 : i32
      %max3A_299 = vector.broadcast %max3A : i32 to vector<16xi32>
      %max3A_300 = arith.maxsi %add3A_298, %max3A_299 : vector<16xi32>
      %convert_element_type3A = arith.sitofp %max3A_300 : vector<16xi32> to vector<16xf32>
      %add3A_301 = arith.constant 0 : i32
      %add3A_302 = arith.addi %add3A_301, %scan3A_210 : i32
      %mul3A_303 = arith.constant 16 : i32
      %mul3A_304 = arith.muli %add3A_302, %mul3A_303 : i32
      %swap3A = arith.index_cast %mul3A_304 : i32 to index
      %swap3A_305 = tpu.vector_load %arg9[%swap3A] {strides = array<i32>} : memref<512xf32, #tpu.memory_space<vmem>>, vector<16xf32>,
      tpu.vector_store %arg9[%swap3A], %convert_element_type3A {strides = array<i32>} : memref<512xf32, #tpu.memory_space<vmem>>, vector<16xf32>,
    }
    %scan3A_18 = arith.constant 4 : i32
    %dma_wait3A = arith.constant 0 : i32
    %dma_wait3A_19 = tpu.memref_slice %arg6[%dma_wait3A] : memref<5120xi32, #tpu.memory_space<vmem>> -> memref<640xi32, #tpu.memory_space<vmem>>
    %dma_wait3A_20 = arith.constant 0 : i32
    %dma_wait3A_21 = arith.constant 0 : i32
    %dma_wait3A_22 = tpu.memref_slice %arg3[%dma_wait3A_20, %dma_wait3A_21] : memref<91170x64xf32, #tpu.memory_space<hbm>> -> memref<91170x64xf32, #tpu.memory_space<hbm>>
    tpu.wait_indirect_dma semaphore(%arg10 : memref<!tpu.dma_semaphore, #tpu.memory_space<semaphore_mem>>) src(%dma_wait3A_22 : memref<91170x64xf32, #tpu.memory_space<hbm>>) dst(%arg7 : memref<640x64xf32, #tpu.memory_space<vmem>>)
    %add3A_23 = arith.constant 0 : i32
    %add3A_24 = arith.addi %mul3A_2, %add3A_23 : i32
    %dma_start3A_25 = arith.constant 0 : i32
    %dma_start3A_26 = tpu.memref_slice %arg4[%add3A_24, %dma_start3A_25] : memref<163840x64xf32, #tpu.memory_space<hbm>> -> memref<640x64xf32, #tpu.memory_space<hbm>>
    %dma_start3A_27 = arith.constant 0 : i32
    %dma_start3A_28 = tpu.memref_slice %arg4[%add3A_24, %dma_start3A_27] : memref<163840x64xf32, #tpu.memory_space<hbm>> -> memref<640x64xf32, #tpu.memory_space<hbm>>
    tpu.enqueue_dma source(%arg7 : memref<640x64xf32, #tpu.memory_space<vmem>>) target(%dma_start3A_28 : memref<640x64xf32, #tpu.memory_space<hbm>>) target_semaphore(%arg12 : memref<!tpu.dma_semaphore, #tpu.memory_space<semaphore_mem>>)
    %dma_wait3A_29 = arith.constant 0 : i32
    %dma_wait3A_30 = tpu.memref_slice %arg4[%add3A_24, %dma_wait3A_29] : memref<163840x64xf32, #tpu.memory_space<hbm>> -> memref<640x64xf32, #tpu.memory_space<hbm>>
    %dma_wait3A_31 = arith.constant 0 : i32
    %dma_wait3A_32 = tpu.memref_slice %arg4[%add3A_24, %dma_wait3A_31] : memref<163840x64xf32, #tpu.memory_space<hbm>> -> memref<640x64xf32, #tpu.memory_space<hbm>>
    tpu.wait_dma2 semaphore(%arg12 : memref<!tpu.dma_semaphore, #tpu.memory_space<semaphore_mem>>) src(%arg7 : memref<640x64xf32, #tpu.memory_space<vmem>>) dst(%dma_wait3A_32 : memref<640x64xf32, #tpu.memory_space<hbm>>)
    %dma_start3A_33 = arith.constant 1280 : i32
    %dma_start3A_34 = tpu.memref_slice %arg6[%dma_start3A_33] : memref<5120xi32, #tpu.memory_space<vmem>> -> memref<640xi32, #tpu.memory_space<vmem>>
    %dma_start3A_35 = arith.constant 0 : i32
    %dma_start3A_36 = arith.constant 0 : i32
    %dma_start3A_37 = tpu.memref_slice %arg3[%dma_start3A_35, %dma_start3A_36] : memref<91170x64xf32, #tpu.memory_space<hbm>> -> memref<91170x64xf32, #tpu.memory_space<hbm>>
    tpu.enqueue_indirect_dma source(%dma_start3A_37 : memref<91170x64xf32, #tpu.memory_space<hbm>>) target(%arg7 : memref<640x64xf32, #tpu.memory_space<vmem>>) offsets(%dma_start3A_34 : memref<640xi32, #tpu.memory_space<vmem>>) semaphore(%arg10 : memref<!tpu.dma_semaphore, #tpu.memory_space<semaphore_mem>>)
    %scan3A_38 = arith.constant 0 : i32
    %scan3A_39 = arith.constant 0 : i32
    %scan3A_40 = arith.constant 4 : i32
    %scan3A_41 = arith.addi %scan3A_39, %scan3A_40 : i32
    %scan3A_42 = arith.constant 1 : i32
    scf.for %scan3A_210 = %scan3A_39 to %scan3A_41 step %scan3A_42  : i32 {
      %add3A_211 = arith.constant 4 : i32
      %add3A_212 = arith.addi %add3A_211, %scan3A_210 : i32
      %mul3A_213 = arith.constant 16 : i32
      %mul3A_214 = arith.muli %add3A_212, %mul3A_213 : i32
      %iota3A = tpu.iota {dimensions = array<i32: 0>} : vector<16xi32>
      %add3A_215 = vector.broadcast %mul3A_214 : i32 to vector<16xi32>
      %add3A_216 = arith.addi %add3A_215, %iota3A : vector<16xi32>
      %mul3A_217 = arith.constant 10 : i32
      %mul3A_218 = vector.broadcast %mul3A_217 : i32 to vector<16xi32>
      %mul3A_219 = arith.muli %add3A_216, %mul3A_218 : vector<16xi32>
      %broadcast_in_dim3A = arith.constant 0 : i32
      %broadcast_in_dim3A_220 = vector.broadcast %broadcast_in_dim3A : i32 to vector<16xi32>
      %add3A_221 = arith.constant 0 : i32
      %add3A_222 = vector.broadcast %add3A_221 : i32 to vector<16xi32>
      %add3A_223 = arith.addi %mul3A_219, %add3A_222 : vector<16xi32>
      %gather3A = tpu.vector_load_idx %arg6[%add3A_223] : memref<5120xi32, #tpu.memory_space<vmem>>[vector<16xi32>], vector<16xi32>,
      %min3A = arith.constant 1 : i32
      %min3A_224 = vector.broadcast %min3A : i32 to vector<16xi32>
      %min3A_225 = arith.minsi %gather3A, %min3A_224 : vector<16xi32>
      %add3A_226 = arith.addi %broadcast_in_dim3A_220, %min3A_225 : vector<16xi32>
      %add3A_227 = arith.constant 1 : i32
      %add3A_228 = vector.broadcast %add3A_227 : i32 to vector<16xi32>
      %add3A_229 = arith.addi %mul3A_219, %add3A_228 : vector<16xi32>
      %gather3A_230 = tpu.vector_load_idx %arg6[%add3A_229] : memref<5120xi32, #tpu.memory_space<vmem>>[vector<16xi32>], vector<16xi32>,
      %min3A_231 = arith.constant 1 : i32
      %min3A_232 = vector.broadcast %min3A_231 : i32 to vector<16xi32>
      %min3A_233 = arith.minsi %gather3A_230, %min3A_232 : vector<16xi32>
      %add3A_234 = arith.addi %add3A_226, %min3A_233 : vector<16xi32>
      %add3A_235 = arith.constant 2 : i32
      %add3A_236 = vector.broadcast %add3A_235 : i32 to vector<16xi32>
      %add3A_237 = arith.addi %mul3A_219, %add3A_236 : vector<16xi32>
      %gather3A_238 = tpu.vector_load_idx %arg6[%add3A_237] : memref<5120xi32, #tpu.memory_space<vmem>>[vector<16xi32>], vector<16xi32>,
      %min3A_239 = arith.constant 1 : i32
      %min3A_240 = vector.broadcast %min3A_239 : i32 to vector<16xi32>
      %min3A_241 = arith.minsi %gather3A_238, %min3A_240 : vector<16xi32>
      %add3A_242 = arith.addi %add3A_234, %min3A_241 : vector<16xi32>
      %add3A_243 = arith.constant 3 : i32
      %add3A_244 = vector.broadcast %add3A_243 : i32 to vector<16xi32>
      %add3A_245 = arith.addi %mul3A_219, %add3A_244 : vector<16xi32>
      %gather3A_246 = tpu.vector_load_idx %arg6[%add3A_245] : memref<5120xi32, #tpu.memory_space<vmem>>[vector<16xi32>], vector<16xi32>,
      %min3A_247 = arith.constant 1 : i32
      %min3A_248 = vector.broadcast %min3A_247 : i32 to vector<16xi32>
      %min3A_249 = arith.minsi %gather3A_246, %min3A_248 : vector<16xi32>
      %add3A_250 = arith.addi %add3A_242, %min3A_249 : vector<16xi32>
      %add3A_251 = arith.constant 4 : i32
      %add3A_252 = vector.broadcast %add3A_251 : i32 to vector<16xi32>
      %add3A_253 = arith.addi %mul3A_219, %add3A_252 : vector<16xi32>
      %gather3A_254 = tpu.vector_load_idx %arg6[%add3A_253] : memref<5120xi32, #tpu.memory_space<vmem>>[vector<16xi32>], vector<16xi32>,
      %min3A_255 = arith.constant 1 : i32
      %min3A_256 = vector.broadcast %min3A_255 : i32 to vector<16xi32>
      %min3A_257 = arith.minsi %gather3A_254, %min3A_256 : vector<16xi32>
      %add3A_258 = arith.addi %add3A_250, %min3A_257 : vector<16xi32>
      %add3A_259 = arith.constant 5 : i32
      %add3A_260 = vector.broadcast %add3A_259 : i32 to vector<16xi32>
      %add3A_261 = arith.addi %mul3A_219, %add3A_260 : vector<16xi32>
      %gather3A_262 = tpu.vector_load_idx %arg6[%add3A_261] : memref<5120xi32, #tpu.memory_space<vmem>>[vector<16xi32>], vector<16xi32>,
      %min3A_263 = arith.constant 1 : i32
      %min3A_264 = vector.broadcast %min3A_263 : i32 to vector<16xi32>
      %min3A_265 = arith.minsi %gather3A_262, %min3A_264 : vector<16xi32>
      %add3A_266 = arith.addi %add3A_258, %min3A_265 : vector<16xi32>
      %add3A_267 = arith.constant 6 : i32
      %add3A_268 = vector.broadcast %add3A_267 : i32 to vector<16xi32>
      %add3A_269 = arith.addi %mul3A_219, %add3A_268 : vector<16xi32>
      %gather3A_270 = tpu.vector_load_idx %arg6[%add3A_269] : memref<5120xi32, #tpu.memory_space<vmem>>[vector<16xi32>], vector<16xi32>,
      %min3A_271 = arith.constant 1 : i32
      %min3A_272 = vector.broadcast %min3A_271 : i32 to vector<16xi32>
      %min3A_273 = arith.minsi %gather3A_270, %min3A_272 : vector<16xi32>
      %add3A_274 = arith.addi %add3A_266, %min3A_273 : vector<16xi32>
      %add3A_275 = arith.constant 7 : i32
      %add3A_276 = vector.broadcast %add3A_275 : i32 to vector<16xi32>
      %add3A_277 = arith.addi %mul3A_219, %add3A_276 : vector<16xi32>
      %gather3A_278 = tpu.vector_load_idx %arg6[%add3A_277] : memref<5120xi32, #tpu.memory_space<vmem>>[vector<16xi32>], vector<16xi32>,
      %min3A_279 = arith.constant 1 : i32
      %min3A_280 = vector.broadcast %min3A_279 : i32 to vector<16xi32>
      %min3A_281 = arith.minsi %gather3A_278, %min3A_280 : vector<16xi32>
      %add3A_282 = arith.addi %add3A_274, %min3A_281 : vector<16xi32>
      %add3A_283 = arith.constant 8 : i32
      %add3A_284 = vector.broadcast %add3A_283 : i32 to vector<16xi32>
      %add3A_285 = arith.addi %mul3A_219, %add3A_284 : vector<16xi32>
      %gather3A_286 = tpu.vector_load_idx %arg6[%add3A_285] : memref<5120xi32, #tpu.memory_space<vmem>>[vector<16xi32>], vector<16xi32>,
      %min3A_287 = arith.constant 1 : i32
      %min3A_288 = vector.broadcast %min3A_287 : i32 to vector<16xi32>
      %min3A_289 = arith.minsi %gather3A_286, %min3A_288 : vector<16xi32>
      %add3A_290 = arith.addi %add3A_282, %min3A_289 : vector<16xi32>
      %add3A_291 = arith.constant 9 : i32
      %add3A_292 = vector.broadcast %add3A_291 : i32 to vector<16xi32>
      %add3A_293 = arith.addi %mul3A_219, %add3A_292 : vector<16xi32>
      %gather3A_294 = tpu.vector_load_idx %arg6[%add3A_293] : memref<5120xi32, #tpu.memory_space<vmem>>[vector<16xi32>], vector<16xi32>,
      %min3A_295 = arith.constant 1 : i32
      %min3A_296 = vector.broadcast %min3A_295 : i32 to vector<16xi32>
      %min3A_297 = arith.minsi %gather3A_294, %min3A_296 : vector<16xi32>
      %add3A_298 = arith.addi %add3A_290, %min3A_297 : vector<16xi32>
      %max3A = arith.constant 1 : i32
      %max3A_299 = vector.broadcast %max3A : i32 to vector<16xi32>
      %max3A_300 = arith.maxsi %add3A_298, %max3A_299 : vector<16xi32>
      %convert_element_type3A = arith.sitofp %max3A_300 : vector<16xi32> to vector<16xf32>
      %add3A_301 = arith.constant 4 : i32
      %add3A_302 = arith.addi %add3A_301, %scan3A_210 : i32
      %mul3A_303 = arith.constant 16 : i32
      %mul3A_304 = arith.muli %add3A_302, %mul3A_303 : i32
      %swap3A = arith.index_cast %mul3A_304 : i32 to index
      %swap3A_305 = tpu.vector_load %arg9[%swap3A] {strides = array<i32>} : memref<512xf32, #tpu.memory_space<vmem>>, vector<16xf32>,
      tpu.vector_store %arg9[%swap3A], %convert_element_type3A {strides = array<i32>} : memref<512xf32, #tpu.memory_space<vmem>>, vector<16xf32>,
    }
    %scan3A_43 = arith.constant 4 : i32
    %dma_wait3A_44 = arith.constant 640 : i32
    %dma_wait3A_45 = tpu.memref_slice %arg6[%dma_wait3A_44] : memref<5120xi32, #tpu.memory_space<vmem>> -> memref<640xi32, #tpu.memory_space<vmem>>
    %dma_wait3A_46 = arith.constant 0 : i32
    %dma_wait3A_47 = arith.constant 0 : i32
    %dma_wait3A_48 = tpu.memref_slice %arg3[%dma_wait3A_46, %dma_wait3A_47] : memref<91170x64xf32, #tpu.memory_space<hbm>> -> memref<91170x64xf32, #tpu.memory_space<hbm>>
    tpu.wait_indirect_dma semaphore(%arg11 : memref<!tpu.dma_semaphore, #tpu.memory_space<semaphore_mem>>) src(%dma_wait3A_48 : memref<91170x64xf32, #tpu.memory_space<hbm>>) dst(%arg8 : memref<640x64xf32, #tpu.memory_space<vmem>>)
    %add3A_49 = arith.constant 640 : i32
    %add3A_50 = arith.addi %mul3A_2, %add3A_49 : i32
    %dma_start3A_51 = arith.constant 0 : i32
    %dma_start3A_52 = tpu.memref_slice %arg4[%add3A_50, %dma_start3A_51] : memref<163840x64xf32, #tpu.memory_space<hbm>> -> memref<640x64xf32, #tpu.memory_space<hbm>>
    %dma_start3A_53 = arith.constant 0 : i32
    %dma_start3A_54 = tpu.memref_slice %arg4[%add3A_50, %dma_start3A_53] : memref<163840x64xf32, #tpu.memory_space<hbm>> -> memref<640x64xf32, #tpu.memory_space<hbm>>
    tpu.enqueue_dma source(%arg8 : memref<640x64xf32, #tpu.memory_space<vmem>>) target(%dma_start3A_54 : memref<640x64xf32, #tpu.memory_space<hbm>>) target_semaphore(%arg13 : memref<!tpu.dma_semaphore, #tpu.memory_space<semaphore_mem>>)
    %dma_wait3A_55 = arith.constant 0 : i32
    %dma_wait3A_56 = tpu.memref_slice %arg4[%add3A_50, %dma_wait3A_55] : memref<163840x64xf32, #tpu.memory_space<hbm>> -> memref<640x64xf32, #tpu.memory_space<hbm>>
    %dma_wait3A_57 = arith.constant 0 : i32
    %dma_wait3A_58 = tpu.memref_slice %arg4[%add3A_50, %dma_wait3A_57] : memref<163840x64xf32, #tpu.memory_space<hbm>> -> memref<640x64xf32, #tpu.memory_space<hbm>>
    tpu.wait_dma2 semaphore(%arg13 : memref<!tpu.dma_semaphore, #tpu.memory_space<semaphore_mem>>) src(%arg8 : memref<640x64xf32, #tpu.memory_space<vmem>>) dst(%dma_wait3A_58 : memref<640x64xf32, #tpu.memory_space<hbm>>)
    %dma_start3A_59 = arith.constant 1920 : i32
    %dma_start3A_60 = tpu.memref_slice %arg6[%dma_start3A_59] : memref<5120xi32, #tpu.memory_space<vmem>> -> memref<640xi32, #tpu.memory_space<vmem>>
    %dma_start3A_61 = arith.constant 0 : i32
    %dma_start3A_62 = arith.constant 0 : i32
    %dma_start3A_63 = tpu.memref_slice %arg3[%dma_start3A_61, %dma_start3A_62] : memref<91170x64xf32, #tpu.memory_space<hbm>> -> memref<91170x64xf32, #tpu.memory_space<hbm>>
    tpu.enqueue_indirect_dma source(%dma_start3A_63 : memref<91170x64xf32, #tpu.memory_space<hbm>>) target(%arg8 : memref<640x64xf32, #tpu.memory_space<vmem>>) offsets(%dma_start3A_60 : memref<640xi32, #tpu.memory_space<vmem>>) semaphore(%arg11 : memref<!tpu.dma_semaphore, #tpu.memory_space<semaphore_mem>>)
    %scan3A_64 = arith.constant 0 : i32
    %scan3A_65 = arith.constant 0 : i32
    %scan3A_66 = arith.constant 4 : i32
    %scan3A_67 = arith.addi %scan3A_65, %scan3A_66 : i32
    %scan3A_68 = arith.constant 1 : i32
    scf.for %scan3A_210 = %scan3A_65 to %scan3A_67 step %scan3A_68  : i32 {
      %add3A_211 = arith.constant 8 : i32
      %add3A_212 = arith.addi %add3A_211, %scan3A_210 : i32
      %mul3A_213 = arith.constant 16 : i32
      %mul3A_214 = arith.muli %add3A_212, %mul3A_213 : i32
      %iota3A = tpu.iota {dimensions = array<i32: 0>} : vector<16xi32>
      %add3A_215 = vector.broadcast %mul3A_214 : i32 to vector<16xi32>
      %add3A_216 = arith.addi %add3A_215, %iota3A : vector<16xi32>
      %mul3A_217 = arith.constant 10 : i32
      %mul3A_218 = vector.broadcast %mul3A_217 : i32 to vector<16xi32>
      %mul3A_219 = arith.muli %add3A_216, %mul3A_218 : vector<16xi32>
      %broadcast_in_dim3A = arith.constant 0 : i32
      %broadcast_in_dim3A_220 = vector.broadcast %broadcast_in_dim3A : i32 to vector<16xi32>
      %add3A_221 = arith.constant 0 : i32
      %add3A_222 = vector.broadcast %add3A_221 : i32 to vector<16xi32>
      %add3A_223 = arith.addi %mul3A_219, %add3A_222 : vector<16xi32>
      %gather3A = tpu.vector_load_idx %arg6[%add3A_223] : memref<5120xi32, #tpu.memory_space<vmem>>[vector<16xi32>], vector<16xi32>,
      %min3A = arith.constant 1 : i32
      %min3A_224 = vector.broadcast %min3A : i32 to vector<16xi32>
      %min3A_225 = arith.minsi %gather3A, %min3A_224 : vector<16xi32>
      %add3A_226 = arith.addi %broadcast_in_dim3A_220, %min3A_225 : vector<16xi32>
      %add3A_227 = arith.constant 1 : i32
      %add3A_228 = vector.broadcast %add3A_227 : i32 to vector<16xi32>
      %add3A_229 = arith.addi %mul3A_219, %add3A_228 : vector<16xi32>
      %gather3A_230 = tpu.vector_load_idx %arg6[%add3A_229] : memref<5120xi32, #tpu.memory_space<vmem>>[vector<16xi32>], vector<16xi32>,
      %min3A_231 = arith.constant 1 : i32
      %min3A_232 = vector.broadcast %min3A_231 : i32 to vector<16xi32>
      %min3A_233 = arith.minsi %gather3A_230, %min3A_232 : vector<16xi32>
      %add3A_234 = arith.addi %add3A_226, %min3A_233 : vector<16xi32>
      %add3A_235 = arith.constant 2 : i32
      %add3A_236 = vector.broadcast %add3A_235 : i32 to vector<16xi32>
      %add3A_237 = arith.addi %mul3A_219, %add3A_236 : vector<16xi32>
      %gather3A_238 = tpu.vector_load_idx %arg6[%add3A_237] : memref<5120xi32, #tpu.memory_space<vmem>>[vector<16xi32>], vector<16xi32>,
      %min3A_239 = arith.constant 1 : i32
      %min3A_240 = vector.broadcast %min3A_239 : i32 to vector<16xi32>
      %min3A_241 = arith.minsi %gather3A_238, %min3A_240 : vector<16xi32>
      %add3A_242 = arith.addi %add3A_234, %min3A_241 : vector<16xi32>
      %add3A_243 = arith.constant 3 : i32
      %add3A_244 = vector.broadcast %add3A_243 : i32 to vector<16xi32>
      %add3A_245 = arith.addi %mul3A_219, %add3A_244 : vector<16xi32>
      %gather3A_246 = tpu.vector_load_idx %arg6[%add3A_245] : memref<5120xi32, #tpu.memory_space<vmem>>[vector<16xi32>], vector<16xi32>,
      %min3A_247 = arith.constant 1 : i32
      %min3A_248 = vector.broadcast %min3A_247 : i32 to vector<16xi32>
      %min3A_249 = arith.minsi %gather3A_246, %min3A_248 : vector<16xi32>
      %add3A_250 = arith.addi %add3A_242, %min3A_249 : vector<16xi32>
      %add3A_251 = arith.constant 4 : i32
      %add3A_252 = vector.broadcast %add3A_251 : i32 to vector<16xi32>
      %add3A_253 = arith.addi %mul3A_219, %add3A_252 : vector<16xi32>
      %gather3A_254 = tpu.vector_load_idx %arg6[%add3A_253] : memref<5120xi32, #tpu.memory_space<vmem>>[vector<16xi32>], vector<16xi32>,
      %min3A_255 = arith.constant 1 : i32
      %min3A_256 = vector.broadcast %min3A_255 : i32 to vector<16xi32>
      %min3A_257 = arith.minsi %gather3A_254, %min3A_256 : vector<16xi32>
      %add3A_258 = arith.addi %add3A_250, %min3A_257 : vector<16xi32>
      %add3A_259 = arith.constant 5 : i32
      %add3A_260 = vector.broadcast %add3A_259 : i32 to vector<16xi32>
      %add3A_261 = arith.addi %mul3A_219, %add3A_260 : vector<16xi32>
      %gather3A_262 = tpu.vector_load_idx %arg6[%add3A_261] : memref<5120xi32, #tpu.memory_space<vmem>>[vector<16xi32>], vector<16xi32>,
      %min3A_263 = arith.constant 1 : i32
      %min3A_264 = vector.broadcast %min3A_263 : i32 to vector<16xi32>
      %min3A_265 = arith.minsi %gather3A_262, %min3A_264 : vector<16xi32>
      %add3A_266 = arith.addi %add3A_258, %min3A_265 : vector<16xi32>
      %add3A_267 = arith.constant 6 : i32
      %add3A_268 = vector.broadcast %add3A_267 : i32 to vector<16xi32>
      %add3A_269 = arith.addi %mul3A_219, %add3A_268 : vector<16xi32>
      %gather3A_270 = tpu.vector_load_idx %arg6[%add3A_269] : memref<5120xi32, #tpu.memory_space<vmem>>[vector<16xi32>], vector<16xi32>,
      %min3A_271 = arith.constant 1 : i32
      %min3A_272 = vector.broadcast %min3A_271 : i32 to vector<16xi32>
      %min3A_273 = arith.minsi %gather3A_270, %min3A_272 : vector<16xi32>
      %add3A_274 = arith.addi %add3A_266, %min3A_273 : vector<16xi32>
      %add3A_275 = arith.constant 7 : i32
      %add3A_276 = vector.broadcast %add3A_275 : i32 to vector<16xi32>
      %add3A_277 = arith.addi %mul3A_219, %add3A_276 : vector<16xi32>
      %gather3A_278 = tpu.vector_load_idx %arg6[%add3A_277] : memref<5120xi32, #tpu.memory_space<vmem>>[vector<16xi32>], vector<16xi32>,
      %min3A_279 = arith.constant 1 : i32
      %min3A_280 = vector.broadcast %min3A_279 : i32 to vector<16xi32>
      %min3A_281 = arith.minsi %gather3A_278, %min3A_280 : vector<16xi32>
      %add3A_282 = arith.addi %add3A_274, %min3A_281 : vector<16xi32>
      %add3A_283 = arith.constant 8 : i32
      %add3A_284 = vector.broadcast %add3A_283 : i32 to vector<16xi32>
      %add3A_285 = arith.addi %mul3A_219, %add3A_284 : vector<16xi32>
      %gather3A_286 = tpu.vector_load_idx %arg6[%add3A_285] : memref<5120xi32, #tpu.memory_space<vmem>>[vector<16xi32>], vector<16xi32>,
      %min3A_287 = arith.constant 1 : i32
      %min3A_288 = vector.broadcast %min3A_287 : i32 to vector<16xi32>
      %min3A_289 = arith.minsi %gather3A_286, %min3A_288 : vector<16xi32>
      %add3A_290 = arith.addi %add3A_282, %min3A_289 : vector<16xi32>
      %add3A_291 = arith.constant 9 : i32
      %add3A_292 = vector.broadcast %add3A_291 : i32 to vector<16xi32>
      %add3A_293 = arith.addi %mul3A_219, %add3A_292 : vector<16xi32>
      %gather3A_294 = tpu.vector_load_idx %arg6[%add3A_293] : memref<5120xi32, #tpu.memory_space<vmem>>[vector<16xi32>], vector<16xi32>,
      %min3A_295 = arith.constant 1 : i32
      %min3A_296 = vector.broadcast %min3A_295 : i32 to vector<16xi32>
      %min3A_297 = arith.minsi %gather3A_294, %min3A_296 : vector<16xi32>
      %add3A_298 = arith.addi %add3A_290, %min3A_297 : vector<16xi32>
      %max3A = arith.constant 1 : i32
      %max3A_299 = vector.broadcast %max3A : i32 to vector<16xi32>
      %max3A_300 = arith.maxsi %add3A_298, %max3A_299 : vector<16xi32>
      %convert_element_type3A = arith.sitofp %max3A_300 : vector<16xi32> to vector<16xf32>
      %add3A_301 = arith.constant 8 : i32
      %add3A_302 = arith.addi %add3A_301, %scan3A_210 : i32
      %mul3A_303 = arith.constant 16 : i32
      %mul3A_304 = arith.muli %add3A_302, %mul3A_303 : i32
      %swap3A = arith.index_cast %mul3A_304 : i32 to index
      %swap3A_305 = tpu.vector_load %arg9[%swap3A] {strides = array<i32>} : memref<512xf32, #tpu.memory_space<vmem>>, vector<16xf32>,
      tpu.vector_store %arg9[%swap3A], %convert_element_type3A {strides = array<i32>} : memref<512xf32, #tpu.memory_space<vmem>>, vector<16xf32>,
    }
    %scan3A_69 = arith.constant 4 : i32
    %dma_wait3A_70 = arith.constant 1280 : i32
    %dma_wait3A_71 = tpu.memref_slice %arg6[%dma_wait3A_70] : memref<5120xi32, #tpu.memory_space<vmem>> -> memref<640xi32, #tpu.memory_space<vmem>>
    %dma_wait3A_72 = arith.constant 0 : i32
    %dma_wait3A_73 = arith.constant 0 : i32
    %dma_wait3A_74 = tpu.memref_slice %arg3[%dma_wait3A_72, %dma_wait3A_73] : memref<91170x64xf32, #tpu.memory_space<hbm>> -> memref<91170x64xf32, #tpu.memory_space<hbm>>
    tpu.wait_indirect_dma semaphore(%arg10 : memref<!tpu.dma_semaphore, #tpu.memory_space<semaphore_mem>>) src(%dma_wait3A_74 : memref<91170x64xf32, #tpu.memory_space<hbm>>) dst(%arg7 : memref<640x64xf32, #tpu.memory_space<vmem>>)
    %add3A_75 = arith.constant 1280 : i32
    %add3A_76 = arith.addi %mul3A_2, %add3A_75 : i32
    %dma_start3A_77 = arith.constant 0 : i32
    %dma_start3A_78 = tpu.memref_slice %arg4[%add3A_76, %dma_start3A_77] : memref<163840x64xf32, #tpu.memory_space<hbm>> -> memref<640x64xf32, #tpu.memory_space<hbm>>
    %dma_start3A_79 = arith.constant 0 : i32
    %dma_start3A_80 = tpu.memref_slice %arg4[%add3A_76, %dma_start3A_79] : memref<163840x64xf32, #tpu.memory_space<hbm>> -> memref<640x64xf32, #tpu.memory_space<hbm>>
    tpu.enqueue_dma source(%arg7 : memref<640x64xf32, #tpu.memory_space<vmem>>) target(%dma_start3A_80 : memref<640x64xf32, #tpu.memory_space<hbm>>) target_semaphore(%arg12 : memref<!tpu.dma_semaphore, #tpu.memory_space<semaphore_mem>>)
    %dma_wait3A_81 = arith.constant 0 : i32
    %dma_wait3A_82 = tpu.memref_slice %arg4[%add3A_76, %dma_wait3A_81] : memref<163840x64xf32, #tpu.memory_space<hbm>> -> memref<640x64xf32, #tpu.memory_space<hbm>>
    %dma_wait3A_83 = arith.constant 0 : i32
    %dma_wait3A_84 = tpu.memref_slice %arg4[%add3A_76, %dma_wait3A_83] : memref<163840x64xf32, #tpu.memory_space<hbm>> -> memref<640x64xf32, #tpu.memory_space<hbm>>
    tpu.wait_dma2 semaphore(%arg12 : memref<!tpu.dma_semaphore, #tpu.memory_space<semaphore_mem>>) src(%arg7 : memref<640x64xf32, #tpu.memory_space<vmem>>) dst(%dma_wait3A_84 : memref<640x64xf32, #tpu.memory_space<hbm>>)
    %dma_start3A_85 = arith.constant 2560 : i32
    %dma_start3A_86 = tpu.memref_slice %arg6[%dma_start3A_85] : memref<5120xi32, #tpu.memory_space<vmem>> -> memref<640xi32, #tpu.memory_space<vmem>>
    %dma_start3A_87 = arith.constant 0 : i32
    %dma_start3A_88 = arith.constant 0 : i32
    %dma_start3A_89 = tpu.memref_slice %arg3[%dma_start3A_87, %dma_start3A_88] : memref<91170x64xf32, #tpu.memory_space<hbm>> -> memref<91170x64xf32, #tpu.memory_space<hbm>>
    tpu.enqueue_indirect_dma source(%dma_start3A_89 : memref<91170x64xf32, #tpu.memory_space<hbm>>) target(%arg7 : memref<640x64xf32, #tpu.memory_space<vmem>>) offsets(%dma_start3A_86 : memref<640xi32, #tpu.memory_space<vmem>>) semaphore(%arg10 : memref<!tpu.dma_semaphore, #tpu.memory_space<semaphore_mem>>)
    %scan3A_90 = arith.constant 0 : i32
    %scan3A_91 = arith.constant 0 : i32
    %scan3A_92 = arith.constant 4 : i32
    %scan3A_93 = arith.addi %scan3A_91, %scan3A_92 : i32
    %scan3A_94 = arith.constant 1 : i32
    scf.for %scan3A_210 = %scan3A_91 to %scan3A_93 step %scan3A_94  : i32 {
      %add3A_211 = arith.constant 12 : i32
      %add3A_212 = arith.addi %add3A_211, %scan3A_210 : i32
      %mul3A_213 = arith.constant 16 : i32
      %mul3A_214 = arith.muli %add3A_212, %mul3A_213 : i32
      %iota3A = tpu.iota {dimensions = array<i32: 0>} : vector<16xi32>
      %add3A_215 = vector.broadcast %mul3A_214 : i32 to vector<16xi32>
      %add3A_216 = arith.addi %add3A_215, %iota3A : vector<16xi32>
      %mul3A_217 = arith.constant 10 : i32
      %mul3A_218 = vector.broadcast %mul3A_217 : i32 to vector<16xi32>
      %mul3A_219 = arith.muli %add3A_216, %mul3A_218 : vector<16xi32>
      %broadcast_in_dim3A = arith.constant 0 : i32
      %broadcast_in_dim3A_220 = vector.broadcast %broadcast_in_dim3A : i32 to vector<16xi32>
      %add3A_221 = arith.constant 0 : i32
      %add3A_222 = vector.broadcast %add3A_221 : i32 to vector<16xi32>
      %add3A_223 = arith.addi %mul3A_219, %add3A_222 : vector<16xi32>
      %gather3A = tpu.vector_load_idx %arg6[%add3A_223] : memref<5120xi32, #tpu.memory_space<vmem>>[vector<16xi32>], vector<16xi32>,
      %min3A = arith.constant 1 : i32
      %min3A_224 = vector.broadcast %min3A : i32 to vector<16xi32>
      %min3A_225 = arith.minsi %gather3A, %min3A_224 : vector<16xi32>
      %add3A_226 = arith.addi %broadcast_in_dim3A_220, %min3A_225 : vector<16xi32>
      %add3A_227 = arith.constant 1 : i32
      %add3A_228 = vector.broadcast %add3A_227 : i32 to vector<16xi32>
      %add3A_229 = arith.addi %mul3A_219, %add3A_228 : vector<16xi32>
      %gather3A_230 = tpu.vector_load_idx %arg6[%add3A_229] : memref<5120xi32, #tpu.memory_space<vmem>>[vector<16xi32>], vector<16xi32>,
      %min3A_231 = arith.constant 1 : i32
      %min3A_232 = vector.broadcast %min3A_231 : i32 to vector<16xi32>
      %min3A_233 = arith.minsi %gather3A_230, %min3A_232 : vector<16xi32>
      %add3A_234 = arith.addi %add3A_226, %min3A_233 : vector<16xi32>
      %add3A_235 = arith.constant 2 : i32
      %add3A_236 = vector.broadcast %add3A_235 : i32 to vector<16xi32>
      %add3A_237 = arith.addi %mul3A_219, %add3A_236 : vector<16xi32>
      %gather3A_238 = tpu.vector_load_idx %arg6[%add3A_237] : memref<5120xi32, #tpu.memory_space<vmem>>[vector<16xi32>], vector<16xi32>,
      %min3A_239 = arith.constant 1 : i32
      %min3A_240 = vector.broadcast %min3A_239 : i32 to vector<16xi32>
      %min3A_241 = arith.minsi %gather3A_238, %min3A_240 : vector<16xi32>
      %add3A_242 = arith.addi %add3A_234, %min3A_241 : vector<16xi32>
      %add3A_243 = arith.constant 3 : i32
      %add3A_244 = vector.broadcast %add3A_243 : i32 to vector<16xi32>
      %add3A_245 = arith.addi %mul3A_219, %add3A_244 : vector<16xi32>
      %gather3A_246 = tpu.vector_load_idx %arg6[%add3A_245] : memref<5120xi32, #tpu.memory_space<vmem>>[vector<16xi32>], vector<16xi32>,
      %min3A_247 = arith.constant 1 : i32
      %min3A_248 = vector.broadcast %min3A_247 : i32 to vector<16xi32>
      %min3A_249 = arith.minsi %gather3A_246, %min3A_248 : vector<16xi32>
      %add3A_250 = arith.addi %add3A_242, %min3A_249 : vector<16xi32>
      %add3A_251 = arith.constant 4 : i32
      %add3A_252 = vector.broadcast %add3A_251 : i32 to vector<16xi32>
      %add3A_253 = arith.addi %mul3A_219, %add3A_252 : vector<16xi32>
      %gather3A_254 = tpu.vector_load_idx %arg6[%add3A_253] : memref<5120xi32, #tpu.memory_space<vmem>>[vector<16xi32>], vector<16xi32>,
      %min3A_255 = arith.constant 1 : i32
      %min3A_256 = vector.broadcast %min3A_255 : i32 to vector<16xi32>
      %min3A_257 = arith.minsi %gather3A_254, %min3A_256 : vector<16xi32>
      %add3A_258 = arith.addi %add3A_250, %min3A_257 : vector<16xi32>
      %add3A_259 = arith.constant 5 : i32
      %add3A_260 = vector.broadcast %add3A_259 : i32 to vector<16xi32>
      %add3A_261 = arith.addi %mul3A_219, %add3A_260 : vector<16xi32>
      %gather3A_262 = tpu.vector_load_idx %arg6[%add3A_261] : memref<5120xi32, #tpu.memory_space<vmem>>[vector<16xi32>], vector<16xi32>,
      %min3A_263 = arith.constant 1 : i32
      %min3A_264 = vector.broadcast %min3A_263 : i32 to vector<16xi32>
      %min3A_265 = arith.minsi %gather3A_262, %min3A_264 : vector<16xi32>
      %add3A_266 = arith.addi %add3A_258, %min3A_265 : vector<16xi32>
      %add3A_267 = arith.constant 6 : i32
      %add3A_268 = vector.broadcast %add3A_267 : i32 to vector<16xi32>
      %add3A_269 = arith.addi %mul3A_219, %add3A_268 : vector<16xi32>
      %gather3A_270 = tpu.vector_load_idx %arg6[%add3A_269] : memref<5120xi32, #tpu.memory_space<vmem>>[vector<16xi32>], vector<16xi32>,
      %min3A_271 = arith.constant 1 : i32
      %min3A_272 = vector.broadcast %min3A_271 : i32 to vector<16xi32>
      %min3A_273 = arith.minsi %gather3A_270, %min3A_272 : vector<16xi32>
      %add3A_274 = arith.addi %add3A_266, %min3A_273 : vector<16xi32>
      %add3A_275 = arith.constant 7 : i32
      %add3A_276 = vector.broadcast %add3A_275 : i32 to vector<16xi32>
      %add3A_277 = arith.addi %mul3A_219, %add3A_276 : vector<16xi32>
      %gather3A_278 = tpu.vector_load_idx %arg6[%add3A_277] : memref<5120xi32, #tpu.memory_space<vmem>>[vector<16xi32>], vector<16xi32>,
      %min3A_279 = arith.constant 1 : i32
      %min3A_280 = vector.broadcast %min3A_279 : i32 to vector<16xi32>
      %min3A_281 = arith.minsi %gather3A_278, %min3A_280 : vector<16xi32>
      %add3A_282 = arith.addi %add3A_274, %min3A_281 : vector<16xi32>
      %add3A_283 = arith.constant 8 : i32
      %add3A_284 = vector.broadcast %add3A_283 : i32 to vector<16xi32>
      %add3A_285 = arith.addi %mul3A_219, %add3A_284 : vector<16xi32>
      %gather3A_286 = tpu.vector_load_idx %arg6[%add3A_285] : memref<5120xi32, #tpu.memory_space<vmem>>[vector<16xi32>], vector<16xi32>,
      %min3A_287 = arith.constant 1 : i32
      %min3A_288 = vector.broadcast %min3A_287 : i32 to vector<16xi32>
      %min3A_289 = arith.minsi %gather3A_286, %min3A_288 : vector<16xi32>
      %add3A_290 = arith.addi %add3A_282, %min3A_289 : vector<16xi32>
      %add3A_291 = arith.constant 9 : i32
      %add3A_292 = vector.broadcast %add3A_291 : i32 to vector<16xi32>
      %add3A_293 = arith.addi %mul3A_219, %add3A_292 : vector<16xi32>
      %gather3A_294 = tpu.vector_load_idx %arg6[%add3A_293] : memref<5120xi32, #tpu.memory_space<vmem>>[vector<16xi32>], vector<16xi32>,
      %min3A_295 = arith.constant 1 : i32
      %min3A_296 = vector.broadcast %min3A_295 : i32 to vector<16xi32>
      %min3A_297 = arith.minsi %gather3A_294, %min3A_296 : vector<16xi32>
      %add3A_298 = arith.addi %add3A_290, %min3A_297 : vector<16xi32>
      %max3A = arith.constant 1 : i32
      %max3A_299 = vector.broadcast %max3A : i32 to vector<16xi32>
      %max3A_300 = arith.maxsi %add3A_298, %max3A_299 : vector<16xi32>
      %convert_element_type3A = arith.sitofp %max3A_300 : vector<16xi32> to vector<16xf32>
      %add3A_301 = arith.constant 12 : i32
      %add3A_302 = arith.addi %add3A_301, %scan3A_210 : i32
      %mul3A_303 = arith.constant 16 : i32
      %mul3A_304 = arith.muli %add3A_302, %mul3A_303 : i32
      %swap3A = arith.index_cast %mul3A_304 : i32 to index
      %swap3A_305 = tpu.vector_load %arg9[%swap3A] {strides = array<i32>} : memref<512xf32, #tpu.memory_space<vmem>>, vector<16xf32>,
      tpu.vector_store %arg9[%swap3A], %convert_element_type3A {strides = array<i32>} : memref<512xf32, #tpu.memory_space<vmem>>, vector<16xf32>,
    }
    %scan3A_95 = arith.constant 4 : i32
    %dma_wait3A_96 = arith.constant 1920 : i32
    %dma_wait3A_97 = tpu.memref_slice %arg6[%dma_wait3A_96] : memref<5120xi32, #tpu.memory_space<vmem>> -> memref<640xi32, #tpu.memory_space<vmem>>
    %dma_wait3A_98 = arith.constant 0 : i32
    %dma_wait3A_99 = arith.constant 0 : i32
    %dma_wait3A_100 = tpu.memref_slice %arg3[%dma_wait3A_98, %dma_wait3A_99] : memref<91170x64xf32, #tpu.memory_space<hbm>> -> memref<91170x64xf32, #tpu.memory_space<hbm>>
    tpu.wait_indirect_dma semaphore(%arg11 : memref<!tpu.dma_semaphore, #tpu.memory_space<semaphore_mem>>) src(%dma_wait3A_100 : memref<91170x64xf32, #tpu.memory_space<hbm>>) dst(%arg8 : memref<640x64xf32, #tpu.memory_space<vmem>>)
    %add3A_101 = arith.constant 1920 : i32
    %add3A_102 = arith.addi %mul3A_2, %add3A_101 : i32
    %dma_start3A_103 = arith.constant 0 : i32
    %dma_start3A_104 = tpu.memref_slice %arg4[%add3A_102, %dma_start3A_103] : memref<163840x64xf32, #tpu.memory_space<hbm>> -> memref<640x64xf32, #tpu.memory_space<hbm>>
    %dma_start3A_105 = arith.constant 0 : i32
    %dma_start3A_106 = tpu.memref_slice %arg4[%add3A_102, %dma_start3A_105] : memref<163840x64xf32, #tpu.memory_space<hbm>> -> memref<640x64xf32, #tpu.memory_space<hbm>>
    tpu.enqueue_dma source(%arg8 : memref<640x64xf32, #tpu.memory_space<vmem>>) target(%dma_start3A_106 : memref<640x64xf32, #tpu.memory_space<hbm>>) target_semaphore(%arg13 : memref<!tpu.dma_semaphore, #tpu.memory_space<semaphore_mem>>)
    %dma_wait3A_107 = arith.constant 0 : i32
    %dma_wait3A_108 = tpu.memref_slice %arg4[%add3A_102, %dma_wait3A_107] : memref<163840x64xf32, #tpu.memory_space<hbm>> -> memref<640x64xf32, #tpu.memory_space<hbm>>
    %dma_wait3A_109 = arith.constant 0 : i32
    %dma_wait3A_110 = tpu.memref_slice %arg4[%add3A_102, %dma_wait3A_109] : memref<163840x64xf32, #tpu.memory_space<hbm>> -> memref<640x64xf32, #tpu.memory_space<hbm>>
    tpu.wait_dma2 semaphore(%arg13 : memref<!tpu.dma_semaphore, #tpu.memory_space<semaphore_mem>>) src(%arg8 : memref<640x64xf32, #tpu.memory_space<vmem>>) dst(%dma_wait3A_110 : memref<640x64xf32, #tpu.memory_space<hbm>>)
    %dma_start3A_111 = arith.constant 3200 : i32
    %dma_start3A_112 = tpu.memref_slice %arg6[%dma_start3A_111] : memref<5120xi32, #tpu.memory_space<vmem>> -> memref<640xi32, #tpu.memory_space<vmem>>
    %dma_start3A_113 = arith.constant 0 : i32
    %dma_start3A_114 = arith.constant 0 : i32
    %dma_start3A_115 = tpu.memref_slice %arg3[%dma_start3A_113, %dma_start3A_114] : memref<91170x64xf32, #tpu.memory_space<hbm>> -> memref<91170x64xf32, #tpu.memory_space<hbm>>
    tpu.enqueue_indirect_dma source(%dma_start3A_115 : memref<91170x64xf32, #tpu.memory_space<hbm>>) target(%arg8 : memref<640x64xf32, #tpu.memory_space<vmem>>) offsets(%dma_start3A_112 : memref<640xi32, #tpu.memory_space<vmem>>) semaphore(%arg11 : memref<!tpu.dma_semaphore, #tpu.memory_space<semaphore_mem>>)
    %scan3A_116 = arith.constant 0 : i32
    %scan3A_117 = arith.constant 0 : i32
    %scan3A_118 = arith.constant 4 : i32
    %scan3A_119 = arith.addi %scan3A_117, %scan3A_118 : i32
    %scan3A_120 = arith.constant 1 : i32
    scf.for %scan3A_210 = %scan3A_117 to %scan3A_119 step %scan3A_120  : i32 {
      %add3A_211 = arith.constant 16 : i32
      %add3A_212 = arith.addi %add3A_211, %scan3A_210 : i32
      %mul3A_213 = arith.constant 16 : i32
      %mul3A_214 = arith.muli %add3A_212, %mul3A_213 : i32
      %iota3A = tpu.iota {dimensions = array<i32: 0>} : vector<16xi32>
      %add3A_215 = vector.broadcast %mul3A_214 : i32 to vector<16xi32>
      %add3A_216 = arith.addi %add3A_215, %iota3A : vector<16xi32>
      %mul3A_217 = arith.constant 10 : i32
      %mul3A_218 = vector.broadcast %mul3A_217 : i32 to vector<16xi32>
      %mul3A_219 = arith.muli %add3A_216, %mul3A_218 : vector<16xi32>
      %broadcast_in_dim3A = arith.constant 0 : i32
      %broadcast_in_dim3A_220 = vector.broadcast %broadcast_in_dim3A : i32 to vector<16xi32>
      %add3A_221 = arith.constant 0 : i32
      %add3A_222 = vector.broadcast %add3A_221 : i32 to vector<16xi32>
      %add3A_223 = arith.addi %mul3A_219, %add3A_222 : vector<16xi32>
      %gather3A = tpu.vector_load_idx %arg6[%add3A_223] : memref<5120xi32, #tpu.memory_space<vmem>>[vector<16xi32>], vector<16xi32>,
      %min3A = arith.constant 1 : i32
      %min3A_224 = vector.broadcast %min3A : i32 to vector<16xi32>
      %min3A_225 = arith.minsi %gather3A, %min3A_224 : vector<16xi32>
      %add3A_226 = arith.addi %broadcast_in_dim3A_220, %min3A_225 : vector<16xi32>
      %add3A_227 = arith.constant 1 : i32
      %add3A_228 = vector.broadcast %add3A_227 : i32 to vector<16xi32>
      %add3A_229 = arith.addi %mul3A_219, %add3A_228 : vector<16xi32>
      %gather3A_230 = tpu.vector_load_idx %arg6[%add3A_229] : memref<5120xi32, #tpu.memory_space<vmem>>[vector<16xi32>], vector<16xi32>,
      %min3A_231 = arith.constant 1 : i32
      %min3A_232 = vector.broadcast %min3A_231 : i32 to vector<16xi32>
      %min3A_233 = arith.minsi %gather3A_230, %min3A_232 : vector<16xi32>
      %add3A_234 = arith.addi %add3A_226, %min3A_233 : vector<16xi32>
      %add3A_235 = arith.constant 2 : i32
      %add3A_236 = vector.broadcast %add3A_235 : i32 to vector<16xi32>
      %add3A_237 = arith.addi %mul3A_219, %add3A_236 : vector<16xi32>
      %gather3A_238 = tpu.vector_load_idx %arg6[%add3A_237] : memref<5120xi32, #tpu.memory_space<vmem>>[vector<16xi32>], vector<16xi32>,
      %min3A_239 = arith.constant 1 : i32
      %min3A_240 = vector.broadcast %min3A_239 : i32 to vector<16xi32>
      %min3A_241 = arith.minsi %gather3A_238, %min3A_240 : vector<16xi32>
      %add3A_242 = arith.addi %add3A_234, %min3A_241 : vector<16xi32>
      %add3A_243 = arith.constant 3 : i32
      %add3A_244 = vector.broadcast %add3A_243 : i32 to vector<16xi32>
      %add3A_245 = arith.addi %mul3A_219, %add3A_244 : vector<16xi32>
      %gather3A_246 = tpu.vector_load_idx %arg6[%add3A_245] : memref<5120xi32, #tpu.memory_space<vmem>>[vector<16xi32>], vector<16xi32>,
      %min3A_247 = arith.constant 1 : i32
      %min3A_248 = vector.broadcast %min3A_247 : i32 to vector<16xi32>
      %min3A_249 = arith.minsi %gather3A_246, %min3A_248 : vector<16xi32>
      %add3A_250 = arith.addi %add3A_242, %min3A_249 : vector<16xi32>
      %add3A_251 = arith.constant 4 : i32
      %add3A_252 = vector.broadcast %add3A_251 : i32 to vector<16xi32>
      %add3A_253 = arith.addi %mul3A_219, %add3A_252 : vector<16xi32>
      %gather3A_254 = tpu.vector_load_idx %arg6[%add3A_253] : memref<5120xi32, #tpu.memory_space<vmem>>[vector<16xi32>], vector<16xi32>,
      %min3A_255 = arith.constant 1 : i32
      %min3A_256 = vector.broadcast %min3A_255 : i32 to vector<16xi32>
      %min3A_257 = arith.minsi %gather3A_254, %min3A_256 : vector<16xi32>
      %add3A_258 = arith.addi %add3A_250, %min3A_257 : vector<16xi32>
      %add3A_259 = arith.constant 5 : i32
      %add3A_260 = vector.broadcast %add3A_259 : i32 to vector<16xi32>
      %add3A_261 = arith.addi %mul3A_219, %add3A_260 : vector<16xi32>
      %gather3A_262 = tpu.vector_load_idx %arg6[%add3A_261] : memref<5120xi32, #tpu.memory_space<vmem>>[vector<16xi32>], vector<16xi32>,
      %min3A_263 = arith.constant 1 : i32
      %min3A_264 = vector.broadcast %min3A_263 : i32 to vector<16xi32>
      %min3A_265 = arith.minsi %gather3A_262, %min3A_264 : vector<16xi32>
      %add3A_266 = arith.addi %add3A_258, %min3A_265 : vector<16xi32>
      %add3A_267 = arith.constant 6 : i32
      %add3A_268 = vector.broadcast %add3A_267 : i32 to vector<16xi32>
      %add3A_269 = arith.addi %mul3A_219, %add3A_268 : vector<16xi32>
      %gather3A_270 = tpu.vector_load_idx %arg6[%add3A_269] : memref<5120xi32, #tpu.memory_space<vmem>>[vector<16xi32>], vector<16xi32>,
      %min3A_271 = arith.constant 1 : i32
      %min3A_272 = vector.broadcast %min3A_271 : i32 to vector<16xi32>
      %min3A_273 = arith.minsi %gather3A_270, %min3A_272 : vector<16xi32>
      %add3A_274 = arith.addi %add3A_266, %min3A_273 : vector<16xi32>
      %add3A_275 = arith.constant 7 : i32
      %add3A_276 = vector.broadcast %add3A_275 : i32 to vector<16xi32>
      %add3A_277 = arith.addi %mul3A_219, %add3A_276 : vector<16xi32>
      %gather3A_278 = tpu.vector_load_idx %arg6[%add3A_277] : memref<5120xi32, #tpu.memory_space<vmem>>[vector<16xi32>], vector<16xi32>,
      %min3A_279 = arith.constant 1 : i32
      %min3A_280 = vector.broadcast %min3A_279 : i32 to vector<16xi32>
      %min3A_281 = arith.minsi %gather3A_278, %min3A_280 : vector<16xi32>
      %add3A_282 = arith.addi %add3A_274, %min3A_281 : vector<16xi32>
      %add3A_283 = arith.constant 8 : i32
      %add3A_284 = vector.broadcast %add3A_283 : i32 to vector<16xi32>
      %add3A_285 = arith.addi %mul3A_219, %add3A_284 : vector<16xi32>
      %gather3A_286 = tpu.vector_load_idx %arg6[%add3A_285] : memref<5120xi32, #tpu.memory_space<vmem>>[vector<16xi32>], vector<16xi32>,
      %min3A_287 = arith.constant 1 : i32
      %min3A_288 = vector.broadcast %min3A_287 : i32 to vector<16xi32>
      %min3A_289 = arith.minsi %gather3A_286, %min3A_288 : vector<16xi32>
      %add3A_290 = arith.addi %add3A_282, %min3A_289 : vector<16xi32>
      %add3A_291 = arith.constant 9 : i32
      %add3A_292 = vector.broadcast %add3A_291 : i32 to vector<16xi32>
      %add3A_293 = arith.addi %mul3A_219, %add3A_292 : vector<16xi32>
      %gather3A_294 = tpu.vector_load_idx %arg6[%add3A_293] : memref<5120xi32, #tpu.memory_space<vmem>>[vector<16xi32>], vector<16xi32>,
      %min3A_295 = arith.constant 1 : i32
      %min3A_296 = vector.broadcast %min3A_295 : i32 to vector<16xi32>
      %min3A_297 = arith.minsi %gather3A_294, %min3A_296 : vector<16xi32>
      %add3A_298 = arith.addi %add3A_290, %min3A_297 : vector<16xi32>
      %max3A = arith.constant 1 : i32
      %max3A_299 = vector.broadcast %max3A : i32 to vector<16xi32>
      %max3A_300 = arith.maxsi %add3A_298, %max3A_299 : vector<16xi32>
      %convert_element_type3A = arith.sitofp %max3A_300 : vector<16xi32> to vector<16xf32>
      %add3A_301 = arith.constant 16 : i32
      %add3A_302 = arith.addi %add3A_301, %scan3A_210 : i32
      %mul3A_303 = arith.constant 16 : i32
      %mul3A_304 = arith.muli %add3A_302, %mul3A_303 : i32
      %swap3A = arith.index_cast %mul3A_304 : i32 to index
      %swap3A_305 = tpu.vector_load %arg9[%swap3A] {strides = array<i32>} : memref<512xf32, #tpu.memory_space<vmem>>, vector<16xf32>,
      tpu.vector_store %arg9[%swap3A], %convert_element_type3A {strides = array<i32>} : memref<512xf32, #tpu.memory_space<vmem>>, vector<16xf32>,
    }
    %scan3A_121 = arith.constant 4 : i32
    %dma_wait3A_122 = arith.constant 2560 : i32
    %dma_wait3A_123 = tpu.memref_slice %arg6[%dma_wait3A_122] : memref<5120xi32, #tpu.memory_space<vmem>> -> memref<640xi32, #tpu.memory_space<vmem>>
    %dma_wait3A_124 = arith.constant 0 : i32
    %dma_wait3A_125 = arith.constant 0 : i32
    %dma_wait3A_126 = tpu.memref_slice %arg3[%dma_wait3A_124, %dma_wait3A_125] : memref<91170x64xf32, #tpu.memory_space<hbm>> -> memref<91170x64xf32, #tpu.memory_space<hbm>>
    tpu.wait_indirect_dma semaphore(%arg10 : memref<!tpu.dma_semaphore, #tpu.memory_space<semaphore_mem>>) src(%dma_wait3A_126 : memref<91170x64xf32, #tpu.memory_space<hbm>>) dst(%arg7 : memref<640x64xf32, #tpu.memory_space<vmem>>)
    %add3A_127 = arith.constant 2560 : i32
    %add3A_128 = arith.addi %mul3A_2, %add3A_127 : i32
    %dma_start3A_129 = arith.constant 0 : i32
    %dma_start3A_130 = tpu.memref_slice %arg4[%add3A_128, %dma_start3A_129] : memref<163840x64xf32, #tpu.memory_space<hbm>> -> memref<640x64xf32, #tpu.memory_space<hbm>>
    %dma_start3A_131 = arith.constant 0 : i32
    %dma_start3A_132 = tpu.memref_slice %arg4[%add3A_128, %dma_start3A_131] : memref<163840x64xf32, #tpu.memory_space<hbm>> -> memref<640x64xf32, #tpu.memory_space<hbm>>
    tpu.enqueue_dma source(%arg7 : memref<640x64xf32, #tpu.memory_space<vmem>>) target(%dma_start3A_132 : memref<640x64xf32, #tpu.memory_space<hbm>>) target_semaphore(%arg12 : memref<!tpu.dma_semaphore, #tpu.memory_space<semaphore_mem>>)
    %dma_wait3A_133 = arith.constant 0 : i32
    %dma_wait3A_134 = tpu.memref_slice %arg4[%add3A_128, %dma_wait3A_133] : memref<163840x64xf32, #tpu.memory_space<hbm>> -> memref<640x64xf32, #tpu.memory_space<hbm>>
    %dma_wait3A_135 = arith.constant 0 : i32
    %dma_wait3A_136 = tpu.memref_slice %arg4[%add3A_128, %dma_wait3A_135] : memref<163840x64xf32, #tpu.memory_space<hbm>> -> memref<640x64xf32, #tpu.memory_space<hbm>>
    tpu.wait_dma2 semaphore(%arg12 : memref<!tpu.dma_semaphore, #tpu.memory_space<semaphore_mem>>) src(%arg7 : memref<640x64xf32, #tpu.memory_space<vmem>>) dst(%dma_wait3A_136 : memref<640x64xf32, #tpu.memory_space<hbm>>)
    %dma_start3A_137 = arith.constant 3840 : i32
    %dma_start3A_138 = tpu.memref_slice %arg6[%dma_start3A_137] : memref<5120xi32, #tpu.memory_space<vmem>> -> memref<640xi32, #tpu.memory_space<vmem>>
    %dma_start3A_139 = arith.constant 0 : i32
    %dma_start3A_140 = arith.constant 0 : i32
    %dma_start3A_141 = tpu.memref_slice %arg3[%dma_start3A_139, %dma_start3A_140] : memref<91170x64xf32, #tpu.memory_space<hbm>> -> memref<91170x64xf32, #tpu.memory_space<hbm>>
    tpu.enqueue_indirect_dma source(%dma_start3A_141 : memref<91170x64xf32, #tpu.memory_space<hbm>>) target(%arg7 : memref<640x64xf32, #tpu.memory_space<vmem>>) offsets(%dma_start3A_138 : memref<640xi32, #tpu.memory_space<vmem>>) semaphore(%arg10 : memref<!tpu.dma_semaphore, #tpu.memory_space<semaphore_mem>>)
    %scan3A_142 = arith.constant 0 : i32
    %scan3A_143 = arith.constant 0 : i32
    %scan3A_144 = arith.constant 4 : i32
    %scan3A_145 = arith.addi %scan3A_143, %scan3A_144 : i32
    %scan3A_146 = arith.constant 1 : i32
    scf.for %scan3A_210 = %scan3A_143 to %scan3A_145 step %scan3A_146  : i32 {
      %add3A_211 = arith.constant 20 : i32
      %add3A_212 = arith.addi %add3A_211, %scan3A_210 : i32
      %mul3A_213 = arith.constant 16 : i32
      %mul3A_214 = arith.muli %add3A_212, %mul3A_213 : i32
      %iota3A = tpu.iota {dimensions = array<i32: 0>} : vector<16xi32>
      %add3A_215 = vector.broadcast %mul3A_214 : i32 to vector<16xi32>
      %add3A_216 = arith.addi %add3A_215, %iota3A : vector<16xi32>
      %mul3A_217 = arith.constant 10 : i32
      %mul3A_218 = vector.broadcast %mul3A_217 : i32 to vector<16xi32>
      %mul3A_219 = arith.muli %add3A_216, %mul3A_218 : vector<16xi32>
      %broadcast_in_dim3A = arith.constant 0 : i32
      %broadcast_in_dim3A_220 = vector.broadcast %broadcast_in_dim3A : i32 to vector<16xi32>
      %add3A_221 = arith.constant 0 : i32
      %add3A_222 = vector.broadcast %add3A_221 : i32 to vector<16xi32>
      %add3A_223 = arith.addi %mul3A_219, %add3A_222 : vector<16xi32>
      %gather3A = tpu.vector_load_idx %arg6[%add3A_223] : memref<5120xi32, #tpu.memory_space<vmem>>[vector<16xi32>], vector<16xi32>,
      %min3A = arith.constant 1 : i32
      %min3A_224 = vector.broadcast %min3A : i32 to vector<16xi32>
      %min3A_225 = arith.minsi %gather3A, %min3A_224 : vector<16xi32>
      %add3A_226 = arith.addi %broadcast_in_dim3A_220, %min3A_225 : vector<16xi32>
      %add3A_227 = arith.constant 1 : i32
      %add3A_228 = vector.broadcast %add3A_227 : i32 to vector<16xi32>
      %add3A_229 = arith.addi %mul3A_219, %add3A_228 : vector<16xi32>
      %gather3A_230 = tpu.vector_load_idx %arg6[%add3A_229] : memref<5120xi32, #tpu.memory_space<vmem>>[vector<16xi32>], vector<16xi32>,
      %min3A_231 = arith.constant 1 : i32
      %min3A_232 = vector.broadcast %min3A_231 : i32 to vector<16xi32>
      %min3A_233 = arith.minsi %gather3A_230, %min3A_232 : vector<16xi32>
      %add3A_234 = arith.addi %add3A_226, %min3A_233 : vector<16xi32>
      %add3A_235 = arith.constant 2 : i32
      %add3A_236 = vector.broadcast %add3A_235 : i32 to vector<16xi32>
      %add3A_237 = arith.addi %mul3A_219, %add3A_236 : vector<16xi32>
      %gather3A_238 = tpu.vector_load_idx %arg6[%add3A_237] : memref<5120xi32, #tpu.memory_space<vmem>>[vector<16xi32>], vector<16xi32>,
      %min3A_239 = arith.constant 1 : i32
      %min3A_240 = vector.broadcast %min3A_239 : i32 to vector<16xi32>
      %min3A_241 = arith.minsi %gather3A_238, %min3A_240 : vector<16xi32>
      %add3A_242 = arith.addi %add3A_234, %min3A_241 : vector<16xi32>
      %add3A_243 = arith.constant 3 : i32
      %add3A_244 = vector.broadcast %add3A_243 : i32 to vector<16xi32>
      %add3A_245 = arith.addi %mul3A_219, %add3A_244 : vector<16xi32>
      %gather3A_246 = tpu.vector_load_idx %arg6[%add3A_245] : memref<5120xi32, #tpu.memory_space<vmem>>[vector<16xi32>], vector<16xi32>,
      %min3A_247 = arith.constant 1 : i32
      %min3A_248 = vector.broadcast %min3A_247 : i32 to vector<16xi32>
      %min3A_249 = arith.minsi %gather3A_246, %min3A_248 : vector<16xi32>
      %add3A_250 = arith.addi %add3A_242, %min3A_249 : vector<16xi32>
      %add3A_251 = arith.constant 4 : i32
      %add3A_252 = vector.broadcast %add3A_251 : i32 to vector<16xi32>
      %add3A_253 = arith.addi %mul3A_219, %add3A_252 : vector<16xi32>
      %gather3A_254 = tpu.vector_load_idx %arg6[%add3A_253] : memref<5120xi32, #tpu.memory_space<vmem>>[vector<16xi32>], vector<16xi32>,
      %min3A_255 = arith.constant 1 : i32
      %min3A_256 = vector.broadcast %min3A_255 : i32 to vector<16xi32>
      %min3A_257 = arith.minsi %gather3A_254, %min3A_256 : vector<16xi32>
      %add3A_258 = arith.addi %add3A_250, %min3A_257 : vector<16xi32>
      %add3A_259 = arith.constant 5 : i32
      %add3A_260 = vector.broadcast %add3A_259 : i32 to vector<16xi32>
      %add3A_261 = arith.addi %mul3A_219, %add3A_260 : vector<16xi32>
      %gather3A_262 = tpu.vector_load_idx %arg6[%add3A_261] : memref<5120xi32, #tpu.memory_space<vmem>>[vector<16xi32>], vector<16xi32>,
      %min3A_263 = arith.constant 1 : i32
      %min3A_264 = vector.broadcast %min3A_263 : i32 to vector<16xi32>
      %min3A_265 = arith.minsi %gather3A_262, %min3A_264 : vector<16xi32>
      %add3A_266 = arith.addi %add3A_258, %min3A_265 : vector<16xi32>
      %add3A_267 = arith.constant 6 : i32
      %add3A_268 = vector.broadcast %add3A_267 : i32 to vector<16xi32>
      %add3A_269 = arith.addi %mul3A_219, %add3A_268 : vector<16xi32>
      %gather3A_270 = tpu.vector_load_idx %arg6[%add3A_269] : memref<5120xi32, #tpu.memory_space<vmem>>[vector<16xi32>], vector<16xi32>,
      %min3A_271 = arith.constant 1 : i32
      %min3A_272 = vector.broadcast %min3A_271 : i32 to vector<16xi32>
      %min3A_273 = arith.minsi %gather3A_270, %min3A_272 : vector<16xi32>
      %add3A_274 = arith.addi %add3A_266, %min3A_273 : vector<16xi32>
      %add3A_275 = arith.constant 7 : i32
      %add3A_276 = vector.broadcast %add3A_275 : i32 to vector<16xi32>
      %add3A_277 = arith.addi %mul3A_219, %add3A_276 : vector<16xi32>
      %gather3A_278 = tpu.vector_load_idx %arg6[%add3A_277] : memref<5120xi32, #tpu.memory_space<vmem>>[vector<16xi32>], vector<16xi32>,
      %min3A_279 = arith.constant 1 : i32
      %min3A_280 = vector.broadcast %min3A_279 : i32 to vector<16xi32>
      %min3A_281 = arith.minsi %gather3A_278, %min3A_280 : vector<16xi32>
      %add3A_282 = arith.addi %add3A_274, %min3A_281 : vector<16xi32>
      %add3A_283 = arith.constant 8 : i32
      %add3A_284 = vector.broadcast %add3A_283 : i32 to vector<16xi32>
      %add3A_285 = arith.addi %mul3A_219, %add3A_284 : vector<16xi32>
      %gather3A_286 = tpu.vector_load_idx %arg6[%add3A_285] : memref<5120xi32, #tpu.memory_space<vmem>>[vector<16xi32>], vector<16xi32>,
      %min3A_287 = arith.constant 1 : i32
      %min3A_288 = vector.broadcast %min3A_287 : i32 to vector<16xi32>
      %min3A_289 = arith.minsi %gather3A_286, %min3A_288 : vector<16xi32>
      %add3A_290 = arith.addi %add3A_282, %min3A_289 : vector<16xi32>
      %add3A_291 = arith.constant 9 : i32
      %add3A_292 = vector.broadcast %add3A_291 : i32 to vector<16xi32>
      %add3A_293 = arith.addi %mul3A_219, %add3A_292 : vector<16xi32>
      %gather3A_294 = tpu.vector_load_idx %arg6[%add3A_293] : memref<5120xi32, #tpu.memory_space<vmem>>[vector<16xi32>], vector<16xi32>,
      %min3A_295 = arith.constant 1 : i32
      %min3A_296 = vector.broadcast %min3A_295 : i32 to vector<16xi32>
      %min3A_297 = arith.minsi %gather3A_294, %min3A_296 : vector<16xi32>
      %add3A_298 = arith.addi %add3A_290, %min3A_297 : vector<16xi32>
      %max3A = arith.constant 1 : i32
      %max3A_299 = vector.broadcast %max3A : i32 to vector<16xi32>
      %max3A_300 = arith.maxsi %add3A_298, %max3A_299 : vector<16xi32>
      %convert_element_type3A = arith.sitofp %max3A_300 : vector<16xi32> to vector<16xf32>
      %add3A_301 = arith.constant 20 : i32
      %add3A_302 = arith.addi %add3A_301, %scan3A_210 : i32
      %mul3A_303 = arith.constant 16 : i32
      %mul3A_304 = arith.muli %add3A_302, %mul3A_303 : i32
      %swap3A = arith.index_cast %mul3A_304 : i32 to index
      %swap3A_305 = tpu.vector_load %arg9[%swap3A] {strides = array<i32>} : memref<512xf32, #tpu.memory_space<vmem>>, vector<16xf32>,
      tpu.vector_store %arg9[%swap3A], %convert_element_type3A {strides = array<i32>} : memref<512xf32, #tpu.memory_space<vmem>>, vector<16xf32>,
    }
    %scan3A_147 = arith.constant 4 : i32
    %dma_wait3A_148 = arith.constant 3200 : i32
    %dma_wait3A_149 = tpu.memref_slice %arg6[%dma_wait3A_148] : memref<5120xi32, #tpu.memory_space<vmem>> -> memref<640xi32, #tpu.memory_space<vmem>>
    %dma_wait3A_150 = arith.constant 0 : i32
    %dma_wait3A_151 = arith.constant 0 : i32
    %dma_wait3A_152 = tpu.memref_slice %arg3[%dma_wait3A_150, %dma_wait3A_151] : memref<91170x64xf32, #tpu.memory_space<hbm>> -> memref<91170x64xf32, #tpu.memory_space<hbm>>
    tpu.wait_indirect_dma semaphore(%arg11 : memref<!tpu.dma_semaphore, #tpu.memory_space<semaphore_mem>>) src(%dma_wait3A_152 : memref<91170x64xf32, #tpu.memory_space<hbm>>) dst(%arg8 : memref<640x64xf32, #tpu.memory_space<vmem>>)
    %add3A_153 = arith.constant 3200 : i32
    %add3A_154 = arith.addi %mul3A_2, %add3A_153 : i32
    %dma_start3A_155 = arith.constant 0 : i32
    %dma_start3A_156 = tpu.memref_slice %arg4[%add3A_154, %dma_start3A_155] : memref<163840x64xf32, #tpu.memory_space<hbm>> -> memref<640x64xf32, #tpu.memory_space<hbm>>
    %dma_start3A_157 = arith.constant 0 : i32
    %dma_start3A_158 = tpu.memref_slice %arg4[%add3A_154, %dma_start3A_157] : memref<163840x64xf32, #tpu.memory_space<hbm>> -> memref<640x64xf32, #tpu.memory_space<hbm>>
    tpu.enqueue_dma source(%arg8 : memref<640x64xf32, #tpu.memory_space<vmem>>) target(%dma_start3A_158 : memref<640x64xf32, #tpu.memory_space<hbm>>) target_semaphore(%arg13 : memref<!tpu.dma_semaphore, #tpu.memory_space<semaphore_mem>>)
    %dma_wait3A_159 = arith.constant 0 : i32
    %dma_wait3A_160 = tpu.memref_slice %arg4[%add3A_154, %dma_wait3A_159] : memref<163840x64xf32, #tpu.memory_space<hbm>> -> memref<640x64xf32, #tpu.memory_space<hbm>>
    %dma_wait3A_161 = arith.constant 0 : i32
    %dma_wait3A_162 = tpu.memref_slice %arg4[%add3A_154, %dma_wait3A_161] : memref<163840x64xf32, #tpu.memory_space<hbm>> -> memref<640x64xf32, #tpu.memory_space<hbm>>
    tpu.wait_dma2 semaphore(%arg13 : memref<!tpu.dma_semaphore, #tpu.memory_space<semaphore_mem>>) src(%arg8 : memref<640x64xf32, #tpu.memory_space<vmem>>) dst(%dma_wait3A_162 : memref<640x64xf32, #tpu.memory_space<hbm>>)
    %dma_start3A_163 = arith.constant 4480 : i32
    %dma_start3A_164 = tpu.memref_slice %arg6[%dma_start3A_163] : memref<5120xi32, #tpu.memory_space<vmem>> -> memref<640xi32, #tpu.memory_space<vmem>>
    %dma_start3A_165 = arith.constant 0 : i32
    %dma_start3A_166 = arith.constant 0 : i32
    %dma_start3A_167 = tpu.memref_slice %arg3[%dma_start3A_165, %dma_start3A_166] : memref<91170x64xf32, #tpu.memory_space<hbm>> -> memref<91170x64xf32, #tpu.memory_space<hbm>>
    tpu.enqueue_indirect_dma source(%dma_start3A_167 : memref<91170x64xf32, #tpu.memory_space<hbm>>) target(%arg8 : memref<640x64xf32, #tpu.memory_space<vmem>>) offsets(%dma_start3A_164 : memref<640xi32, #tpu.memory_space<vmem>>) semaphore(%arg11 : memref<!tpu.dma_semaphore, #tpu.memory_space<semaphore_mem>>)
    %scan3A_168 = arith.constant 0 : i32
    %scan3A_169 = arith.constant 0 : i32
    %scan3A_170 = arith.constant 4 : i32
    %scan3A_171 = arith.addi %scan3A_169, %scan3A_170 : i32
    %scan3A_172 = arith.constant 1 : i32
    scf.for %scan3A_210 = %scan3A_169 to %scan3A_171 step %scan3A_172  : i32 {
      %add3A_211 = arith.constant 24 : i32
      %add3A_212 = arith.addi %add3A_211, %scan3A_210 : i32
      %mul3A_213 = arith.constant 16 : i32
      %mul3A_214 = arith.muli %add3A_212, %mul3A_213 : i32
      %iota3A = tpu.iota {dimensions = array<i32: 0>} : vector<16xi32>
      %add3A_215 = vector.broadcast %mul3A_214 : i32 to vector<16xi32>
      %add3A_216 = arith.addi %add3A_215, %iota3A : vector<16xi32>
      %mul3A_217 = arith.constant 10 : i32
      %mul3A_218 = vector.broadcast %mul3A_217 : i32 to vector<16xi32>
      %mul3A_219 = arith.muli %add3A_216, %mul3A_218 : vector<16xi32>
      %broadcast_in_dim3A = arith.constant 0 : i32
      %broadcast_in_dim3A_220 = vector.broadcast %broadcast_in_dim3A : i32 to vector<16xi32>
      %add3A_221 = arith.constant 0 : i32
      %add3A_222 = vector.broadcast %add3A_221 : i32 to vector<16xi32>
      %add3A_223 = arith.addi %mul3A_219, %add3A_222 : vector<16xi32>
      %gather3A = tpu.vector_load_idx %arg6[%add3A_223] : memref<5120xi32, #tpu.memory_space<vmem>>[vector<16xi32>], vector<16xi32>,
      %min3A = arith.constant 1 : i32
      %min3A_224 = vector.broadcast %min3A : i32 to vector<16xi32>
      %min3A_225 = arith.minsi %gather3A, %min3A_224 : vector<16xi32>
      %add3A_226 = arith.addi %broadcast_in_dim3A_220, %min3A_225 : vector<16xi32>
      %add3A_227 = arith.constant 1 : i32
      %add3A_228 = vector.broadcast %add3A_227 : i32 to vector<16xi32>
      %add3A_229 = arith.addi %mul3A_219, %add3A_228 : vector<16xi32>
      %gather3A_230 = tpu.vector_load_idx %arg6[%add3A_229] : memref<5120xi32, #tpu.memory_space<vmem>>[vector<16xi32>], vector<16xi32>,
      %min3A_231 = arith.constant 1 : i32
      %min3A_232 = vector.broadcast %min3A_231 : i32 to vector<16xi32>
      %min3A_233 = arith.minsi %gather3A_230, %min3A_232 : vector<16xi32>
      %add3A_234 = arith.addi %add3A_226, %min3A_233 : vector<16xi32>
      %add3A_235 = arith.constant 2 : i32
      %add3A_236 = vector.broadcast %add3A_235 : i32 to vector<16xi32>
      %add3A_237 = arith.addi %mul3A_219, %add3A_236 : vector<16xi32>
      %gather3A_238 = tpu.vector_load_idx %arg6[%add3A_237] : memref<5120xi32, #tpu.memory_space<vmem>>[vector<16xi32>], vector<16xi32>,
      %min3A_239 = arith.constant 1 : i32
      %min3A_240 = vector.broadcast %min3A_239 : i32 to vector<16xi32>
      %min3A_241 = arith.minsi %gather3A_238, %min3A_240 : vector<16xi32>
      %add3A_242 = arith.addi %add3A_234, %min3A_241 : vector<16xi32>
      %add3A_243 = arith.constant 3 : i32
      %add3A_244 = vector.broadcast %add3A_243 : i32 to vector<16xi32>
      %add3A_245 = arith.addi %mul3A_219, %add3A_244 : vector<16xi32>
      %gather3A_246 = tpu.vector_load_idx %arg6[%add3A_245] : memref<5120xi32, #tpu.memory_space<vmem>>[vector<16xi32>], vector<16xi32>,
      %min3A_247 = arith.constant 1 : i32
      %min3A_248 = vector.broadcast %min3A_247 : i32 to vector<16xi32>
      %min3A_249 = arith.minsi %gather3A_246, %min3A_248 : vector<16xi32>
      %add3A_250 = arith.addi %add3A_242, %min3A_249 : vector<16xi32>
      %add3A_251 = arith.constant 4 : i32
      %add3A_252 = vector.broadcast %add3A_251 : i32 to vector<16xi32>
      %add3A_253 = arith.addi %mul3A_219, %add3A_252 : vector<16xi32>
      %gather3A_254 = tpu.vector_load_idx %arg6[%add3A_253] : memref<5120xi32, #tpu.memory_space<vmem>>[vector<16xi32>], vector<16xi32>,
      %min3A_255 = arith.constant 1 : i32
      %min3A_256 = vector.broadcast %min3A_255 : i32 to vector<16xi32>
      %min3A_257 = arith.minsi %gather3A_254, %min3A_256 : vector<16xi32>
      %add3A_258 = arith.addi %add3A_250, %min3A_257 : vector<16xi32>
      %add3A_259 = arith.constant 5 : i32
      %add3A_260 = vector.broadcast %add3A_259 : i32 to vector<16xi32>
      %add3A_261 = arith.addi %mul3A_219, %add3A_260 : vector<16xi32>
      %gather3A_262 = tpu.vector_load_idx %arg6[%add3A_261] : memref<5120xi32, #tpu.memory_space<vmem>>[vector<16xi32>], vector<16xi32>,
      %min3A_263 = arith.constant 1 : i32
      %min3A_264 = vector.broadcast %min3A_263 : i32 to vector<16xi32>
      %min3A_265 = arith.minsi %gather3A_262, %min3A_264 : vector<16xi32>
      %add3A_266 = arith.addi %add3A_258, %min3A_265 : vector<16xi32>
      %add3A_267 = arith.constant 6 : i32
      %add3A_268 = vector.broadcast %add3A_267 : i32 to vector<16xi32>
      %add3A_269 = arith.addi %mul3A_219, %add3A_268 : vector<16xi32>
      %gather3A_270 = tpu.vector_load_idx %arg6[%add3A_269] : memref<5120xi32, #tpu.memory_space<vmem>>[vector<16xi32>], vector<16xi32>,
      %min3A_271 = arith.constant 1 : i32
      %min3A_272 = vector.broadcast %min3A_271 : i32 to vector<16xi32>
      %min3A_273 = arith.minsi %gather3A_270, %min3A_272 : vector<16xi32>
      %add3A_274 = arith.addi %add3A_266, %min3A_273 : vector<16xi32>
      %add3A_275 = arith.constant 7 : i32
      %add3A_276 = vector.broadcast %add3A_275 : i32 to vector<16xi32>
      %add3A_277 = arith.addi %mul3A_219, %add3A_276 : vector<16xi32>
      %gather3A_278 = tpu.vector_load_idx %arg6[%add3A_277] : memref<5120xi32, #tpu.memory_space<vmem>>[vector<16xi32>], vector<16xi32>,
      %min3A_279 = arith.constant 1 : i32
      %min3A_280 = vector.broadcast %min3A_279 : i32 to vector<16xi32>
      %min3A_281 = arith.minsi %gather3A_278, %min3A_280 : vector<16xi32>
      %add3A_282 = arith.addi %add3A_274, %min3A_281 : vector<16xi32>
      %add3A_283 = arith.constant 8 : i32
      %add3A_284 = vector.broadcast %add3A_283 : i32 to vector<16xi32>
      %add3A_285 = arith.addi %mul3A_219, %add3A_284 : vector<16xi32>
      %gather3A_286 = tpu.vector_load_idx %arg6[%add3A_285] : memref<5120xi32, #tpu.memory_space<vmem>>[vector<16xi32>], vector<16xi32>,
      %min3A_287 = arith.constant 1 : i32
      %min3A_288 = vector.broadcast %min3A_287 : i32 to vector<16xi32>
      %min3A_289 = arith.minsi %gather3A_286, %min3A_288 : vector<16xi32>
      %add3A_290 = arith.addi %add3A_282, %min3A_289 : vector<16xi32>
      %add3A_291 = arith.constant 9 : i32
      %add3A_292 = vector.broadcast %add3A_291 : i32 to vector<16xi32>
      %add3A_293 = arith.addi %mul3A_219, %add3A_292 : vector<16xi32>
      %gather3A_294 = tpu.vector_load_idx %arg6[%add3A_293] : memref<5120xi32, #tpu.memory_space<vmem>>[vector<16xi32>], vector<16xi32>,
      %min3A_295 = arith.constant 1 : i32
      %min3A_296 = vector.broadcast %min3A_295 : i32 to vector<16xi32>
      %min3A_297 = arith.minsi %gather3A_294, %min3A_296 : vector<16xi32>
      %add3A_298 = arith.addi %add3A_290, %min3A_297 : vector<16xi32>
      %max3A = arith.constant 1 : i32
      %max3A_299 = vector.broadcast %max3A : i32 to vector<16xi32>
      %max3A_300 = arith.maxsi %add3A_298, %max3A_299 : vector<16xi32>
      %convert_element_type3A = arith.sitofp %max3A_300 : vector<16xi32> to vector<16xf32>
      %add3A_301 = arith.constant 24 : i32
      %add3A_302 = arith.addi %add3A_301, %scan3A_210 : i32
      %mul3A_303 = arith.constant 16 : i32
      %mul3A_304 = arith.muli %add3A_302, %mul3A_303 : i32
      %swap3A = arith.index_cast %mul3A_304 : i32 to index
      %swap3A_305 = tpu.vector_load %arg9[%swap3A] {strides = array<i32>} : memref<512xf32, #tpu.memory_space<vmem>>, vector<16xf32>,
      tpu.vector_store %arg9[%swap3A], %convert_element_type3A {strides = array<i32>} : memref<512xf32, #tpu.memory_space<vmem>>, vector<16xf32>,
    }
    %scan3A_173 = arith.constant 4 : i32
    %dma_wait3A_174 = arith.constant 3840 : i32
    %dma_wait3A_175 = tpu.memref_slice %arg6[%dma_wait3A_174] : memref<5120xi32, #tpu.memory_space<vmem>> -> memref<640xi32, #tpu.memory_space<vmem>>
    %dma_wait3A_176 = arith.constant 0 : i32
    %dma_wait3A_177 = arith.constant 0 : i32
    %dma_wait3A_178 = tpu.memref_slice %arg3[%dma_wait3A_176, %dma_wait3A_177] : memref<91170x64xf32, #tpu.memory_space<hbm>> -> memref<91170x64xf32, #tpu.memory_space<hbm>>
    tpu.wait_indirect_dma semaphore(%arg10 : memref<!tpu.dma_semaphore, #tpu.memory_space<semaphore_mem>>) src(%dma_wait3A_178 : memref<91170x64xf32, #tpu.memory_space<hbm>>) dst(%arg7 : memref<640x64xf32, #tpu.memory_space<vmem>>)
    %add3A_179 = arith.constant 3840 : i32
    %add3A_180 = arith.addi %mul3A_2, %add3A_179 : i32
    %dma_start3A_181 = arith.constant 0 : i32
    %dma_start3A_182 = tpu.memref_slice %arg4[%add3A_180, %dma_start3A_181] : memref<163840x64xf32, #tpu.memory_space<hbm>> -> memref<640x64xf32, #tpu.memory_space<hbm>>
    %dma_start3A_183 = arith.constant 0 : i32
    %dma_start3A_184 = tpu.memref_slice %arg4[%add3A_180, %dma_start3A_183] : memref<163840x64xf32, #tpu.memory_space<hbm>> -> memref<640x64xf32, #tpu.memory_space<hbm>>
    tpu.enqueue_dma source(%arg7 : memref<640x64xf32, #tpu.memory_space<vmem>>) target(%dma_start3A_184 : memref<640x64xf32, #tpu.memory_space<hbm>>) target_semaphore(%arg12 : memref<!tpu.dma_semaphore, #tpu.memory_space<semaphore_mem>>)
    %dma_wait3A_185 = arith.constant 0 : i32
    %dma_wait3A_186 = tpu.memref_slice %arg4[%add3A_180, %dma_wait3A_185] : memref<163840x64xf32, #tpu.memory_space<hbm>> -> memref<640x64xf32, #tpu.memory_space<hbm>>
    %dma_wait3A_187 = arith.constant 0 : i32
    %dma_wait3A_188 = tpu.memref_slice %arg4[%add3A_180, %dma_wait3A_187] : memref<163840x64xf32, #tpu.memory_space<hbm>> -> memref<640x64xf32, #tpu.memory_space<hbm>>
    tpu.wait_dma2 semaphore(%arg12 : memref<!tpu.dma_semaphore, #tpu.memory_space<semaphore_mem>>) src(%arg7 : memref<640x64xf32, #tpu.memory_space<vmem>>) dst(%dma_wait3A_188 : memref<640x64xf32, #tpu.memory_space<hbm>>)
    %scan3A_189 = arith.constant 0 : i32
    %scan3A_190 = arith.constant 0 : i32
    %scan3A_191 = arith.constant 4 : i32
    %scan3A_192 = arith.addi %scan3A_190, %scan3A_191 : i32
    %scan3A_193 = arith.constant 1 : i32
    scf.for %scan3A_210 = %scan3A_190 to %scan3A_192 step %scan3A_193  : i32 {
      %add3A_211 = arith.constant 28 : i32
      %add3A_212 = arith.addi %add3A_211, %scan3A_210 : i32
      %mul3A_213 = arith.constant 16 : i32
      %mul3A_214 = arith.muli %add3A_212, %mul3A_213 : i32
      %iota3A = tpu.iota {dimensions = array<i32: 0>} : vector<16xi32>
      %add3A_215 = vector.broadcast %mul3A_214 : i32 to vector<16xi32>
      %add3A_216 = arith.addi %add3A_215, %iota3A : vector<16xi32>
      %mul3A_217 = arith.constant 10 : i32
      %mul3A_218 = vector.broadcast %mul3A_217 : i32 to vector<16xi32>
      %mul3A_219 = arith.muli %add3A_216, %mul3A_218 : vector<16xi32>
      %broadcast_in_dim3A = arith.constant 0 : i32
      %broadcast_in_dim3A_220 = vector.broadcast %broadcast_in_dim3A : i32 to vector<16xi32>
      %add3A_221 = arith.constant 0 : i32
      %add3A_222 = vector.broadcast %add3A_221 : i32 to vector<16xi32>
      %add3A_223 = arith.addi %mul3A_219, %add3A_222 : vector<16xi32>
      %gather3A = tpu.vector_load_idx %arg6[%add3A_223] : memref<5120xi32, #tpu.memory_space<vmem>>[vector<16xi32>], vector<16xi32>,
      %min3A = arith.constant 1 : i32
      %min3A_224 = vector.broadcast %min3A : i32 to vector<16xi32>
      %min3A_225 = arith.minsi %gather3A, %min3A_224 : vector<16xi32>
      %add3A_226 = arith.addi %broadcast_in_dim3A_220, %min3A_225 : vector<16xi32>
      %add3A_227 = arith.constant 1 : i32
      %add3A_228 = vector.broadcast %add3A_227 : i32 to vector<16xi32>
      %add3A_229 = arith.addi %mul3A_219, %add3A_228 : vector<16xi32>
      %gather3A_230 = tpu.vector_load_idx %arg6[%add3A_229] : memref<5120xi32, #tpu.memory_space<vmem>>[vector<16xi32>], vector<16xi32>,
      %min3A_231 = arith.constant 1 : i32
      %min3A_232 = vector.broadcast %min3A_231 : i32 to vector<16xi32>
      %min3A_233 = arith.minsi %gather3A_230, %min3A_232 : vector<16xi32>
      %add3A_234 = arith.addi %add3A_226, %min3A_233 : vector<16xi32>
      %add3A_235 = arith.constant 2 : i32
      %add3A_236 = vector.broadcast %add3A_235 : i32 to vector<16xi32>
      %add3A_237 = arith.addi %mul3A_219, %add3A_236 : vector<16xi32>
      %gather3A_238 = tpu.vector_load_idx %arg6[%add3A_237] : memref<5120xi32, #tpu.memory_space<vmem>>[vector<16xi32>], vector<16xi32>,
      %min3A_239 = arith.constant 1 : i32
      %min3A_240 = vector.broadcast %min3A_239 : i32 to vector<16xi32>
      %min3A_241 = arith.minsi %gather3A_238, %min3A_240 : vector<16xi32>
      %add3A_242 = arith.addi %add3A_234, %min3A_241 : vector<16xi32>
      %add3A_243 = arith.constant 3 : i32
      %add3A_244 = vector.broadcast %add3A_243 : i32 to vector<16xi32>
      %add3A_245 = arith.addi %mul3A_219, %add3A_244 : vector<16xi32>
      %gather3A_246 = tpu.vector_load_idx %arg6[%add3A_245] : memref<5120xi32, #tpu.memory_space<vmem>>[vector<16xi32>], vector<16xi32>,
      %min3A_247 = arith.constant 1 : i32
      %min3A_248 = vector.broadcast %min3A_247 : i32 to vector<16xi32>
      %min3A_249 = arith.minsi %gather3A_246, %min3A_248 : vector<16xi32>
      %add3A_250 = arith.addi %add3A_242, %min3A_249 : vector<16xi32>
      %add3A_251 = arith.constant 4 : i32
      %add3A_252 = vector.broadcast %add3A_251 : i32 to vector<16xi32>
      %add3A_253 = arith.addi %mul3A_219, %add3A_252 : vector<16xi32>
      %gather3A_254 = tpu.vector_load_idx %arg6[%add3A_253] : memref<5120xi32, #tpu.memory_space<vmem>>[vector<16xi32>], vector<16xi32>,
      %min3A_255 = arith.constant 1 : i32
      %min3A_256 = vector.broadcast %min3A_255 : i32 to vector<16xi32>
      %min3A_257 = arith.minsi %gather3A_254, %min3A_256 : vector<16xi32>
      %add3A_258 = arith.addi %add3A_250, %min3A_257 : vector<16xi32>
      %add3A_259 = arith.constant 5 : i32
      %add3A_260 = vector.broadcast %add3A_259 : i32 to vector<16xi32>
      %add3A_261 = arith.addi %mul3A_219, %add3A_260 : vector<16xi32>
      %gather3A_262 = tpu.vector_load_idx %arg6[%add3A_261] : memref<5120xi32, #tpu.memory_space<vmem>>[vector<16xi32>], vector<16xi32>,
      %min3A_263 = arith.constant 1 : i32
      %min3A_264 = vector.broadcast %min3A_263 : i32 to vector<16xi32>
      %min3A_265 = arith.minsi %gather3A_262, %min3A_264 : vector<16xi32>
      %add3A_266 = arith.addi %add3A_258, %min3A_265 : vector<16xi32>
      %add3A_267 = arith.constant 6 : i32
      %add3A_268 = vector.broadcast %add3A_267 : i32 to vector<16xi32>
      %add3A_269 = arith.addi %mul3A_219, %add3A_268 : vector<16xi32>
      %gather3A_270 = tpu.vector_load_idx %arg6[%add3A_269] : memref<5120xi32, #tpu.memory_space<vmem>>[vector<16xi32>], vector<16xi32>,
      %min3A_271 = arith.constant 1 : i32
      %min3A_272 = vector.broadcast %min3A_271 : i32 to vector<16xi32>
      %min3A_273 = arith.minsi %gather3A_270, %min3A_272 : vector<16xi32>
      %add3A_274 = arith.addi %add3A_266, %min3A_273 : vector<16xi32>
      %add3A_275 = arith.constant 7 : i32
      %add3A_276 = vector.broadcast %add3A_275 : i32 to vector<16xi32>
      %add3A_277 = arith.addi %mul3A_219, %add3A_276 : vector<16xi32>
      %gather3A_278 = tpu.vector_load_idx %arg6[%add3A_277] : memref<5120xi32, #tpu.memory_space<vmem>>[vector<16xi32>], vector<16xi32>,
      %min3A_279 = arith.constant 1 : i32
      %min3A_280 = vector.broadcast %min3A_279 : i32 to vector<16xi32>
      %min3A_281 = arith.minsi %gather3A_278, %min3A_280 : vector<16xi32>
      %add3A_282 = arith.addi %add3A_274, %min3A_281 : vector<16xi32>
      %add3A_283 = arith.constant 8 : i32
      %add3A_284 = vector.broadcast %add3A_283 : i32 to vector<16xi32>
      %add3A_285 = arith.addi %mul3A_219, %add3A_284 : vector<16xi32>
      %gather3A_286 = tpu.vector_load_idx %arg6[%add3A_285] : memref<5120xi32, #tpu.memory_space<vmem>>[vector<16xi32>], vector<16xi32>,
      %min3A_287 = arith.constant 1 : i32
      %min3A_288 = vector.broadcast %min3A_287 : i32 to vector<16xi32>
      %min3A_289 = arith.minsi %gather3A_286, %min3A_288 : vector<16xi32>
      %add3A_290 = arith.addi %add3A_282, %min3A_289 : vector<16xi32>
      %add3A_291 = arith.constant 9 : i32
      %add3A_292 = vector.broadcast %add3A_291 : i32 to vector<16xi32>
      %add3A_293 = arith.addi %mul3A_219, %add3A_292 : vector<16xi32>
      %gather3A_294 = tpu.vector_load_idx %arg6[%add3A_293] : memref<5120xi32, #tpu.memory_space<vmem>>[vector<16xi32>], vector<16xi32>,
      %min3A_295 = arith.constant 1 : i32
      %min3A_296 = vector.broadcast %min3A_295 : i32 to vector<16xi32>
      %min3A_297 = arith.minsi %gather3A_294, %min3A_296 : vector<16xi32>
      %add3A_298 = arith.addi %add3A_290, %min3A_297 : vector<16xi32>
      %max3A = arith.constant 1 : i32
      %max3A_299 = vector.broadcast %max3A : i32 to vector<16xi32>
      %max3A_300 = arith.maxsi %add3A_298, %max3A_299 : vector<16xi32>
      %convert_element_type3A = arith.sitofp %max3A_300 : vector<16xi32> to vector<16xf32>
      %add3A_301 = arith.constant 28 : i32
      %add3A_302 = arith.addi %add3A_301, %scan3A_210 : i32
      %mul3A_303 = arith.constant 16 : i32
      %mul3A_304 = arith.muli %add3A_302, %mul3A_303 : i32
      %swap3A = arith.index_cast %mul3A_304 : i32 to index
      %swap3A_305 = tpu.vector_load %arg9[%swap3A] {strides = array<i32>} : memref<512xf32, #tpu.memory_space<vmem>>, vector<16xf32>,
      tpu.vector_store %arg9[%swap3A], %convert_element_type3A {strides = array<i32>} : memref<512xf32, #tpu.memory_space<vmem>>, vector<16xf32>,
    }
    %scan3A_194 = arith.constant 4 : i32
    %dma_wait3A_195 = arith.constant 4480 : i32
    %dma_wait3A_196 = tpu.memref_slice %arg6[%dma_wait3A_195] : memref<5120xi32, #tpu.memory_space<vmem>> -> memref<640xi32, #tpu.memory_space<vmem>>
    %dma_wait3A_197 = arith.constant 0 : i32
    %dma_wait3A_198 = arith.constant 0 : i32
    %dma_wait3A_199 = tpu.memref_slice %arg3[%dma_wait3A_197, %dma_wait3A_198] : memref<91170x64xf32, #tpu.memory_space<hbm>> -> memref<91170x64xf32, #tpu.memory_space<hbm>>
    tpu.wait_indirect_dma semaphore(%arg11 : memref<!tpu.dma_semaphore, #tpu.memory_space<semaphore_mem>>) src(%dma_wait3A_199 : memref<91170x64xf32, #tpu.memory_space<hbm>>) dst(%arg8 : memref<640x64xf32, #tpu.memory_space<vmem>>)
    %add3A_200 = arith.constant 4480 : i32
    %add3A_201 = arith.addi %mul3A_2, %add3A_200 : i32
    %dma_start3A_202 = arith.constant 0 : i32
    %dma_start3A_203 = tpu.memref_slice %arg4[%add3A_201, %dma_start3A_202] : memref<163840x64xf32, #tpu.memory_space<hbm>> -> memref<640x64xf32, #tpu.memory_space<hbm>>
    %dma_start3A_204 = arith.constant 0 : i32
    %dma_start3A_205 = tpu.memref_slice %arg4[%add3A_201, %dma_start3A_204] : memref<163840x64xf32, #tpu.memory_space<hbm>> -> memref<640x64xf32, #tpu.memory_space<hbm>>
    tpu.enqueue_dma source(%arg8 : memref<640x64xf32, #tpu.memory_space<vmem>>) target(%dma_start3A_205 : memref<640x64xf32, #tpu.memory_space<hbm>>) target_semaphore(%arg13 : memref<!tpu.dma_semaphore, #tpu.memory_space<semaphore_mem>>)
    %dma_wait3A_206 = arith.constant 0 : i32
    %dma_wait3A_207 = tpu.memref_slice %arg4[%add3A_201, %dma_wait3A_206] : memref<163840x64xf32, #tpu.memory_space<hbm>> -> memref<640x64xf32, #tpu.memory_space<hbm>>
    %dma_wait3A_208 = arith.constant 0 : i32
    %dma_wait3A_209 = tpu.memref_slice %arg4[%add3A_201, %dma_wait3A_208] : memref<163840x64xf32, #tpu.memory_space<hbm>> -> memref<640x64xf32, #tpu.memory_space<hbm>>
    tpu.wait_dma2 semaphore(%arg13 : memref<!tpu.dma_semaphore, #tpu.memory_space<semaphore_mem>>) src(%arg8 : memref<640x64xf32, #tpu.memory_space<vmem>>) dst(%dma_wait3A_209 : memref<640x64xf32, #tpu.memory_space<hbm>>)
    "tpu.region"() ({
      %run_scoped3A = tpu.sem_alloc : memref<!tpu.dma_semaphore, #tpu.memory_space<semaphore_mem>>
      %dma_start3A_210 = tpu.memref_slice %arg5[%mul3A_4] : memref<16384xf32, #tpu.memory_space<hbm>> -> memref<512xf32, #tpu.memory_space<hbm>>
      %dma_start3A_211 = tpu.memref_slice %arg5[%mul3A_4] : memref<16384xf32, #tpu.memory_space<hbm>> -> memref<512xf32, #tpu.memory_space<hbm>>
      tpu.enqueue_dma source(%arg9 : memref<512xf32, #tpu.memory_space<vmem>>) target(%dma_start3A_211 : memref<512xf32, #tpu.memory_space<hbm>>) target_semaphore(%run_scoped3A : memref<!tpu.dma_semaphore, #tpu.memory_space<semaphore_mem>>)
      %dma_wait3A_212 = tpu.memref_slice %arg5[%mul3A_4] : memref<16384xf32, #tpu.memory_space<hbm>> -> memref<512xf32, #tpu.memory_space<hbm>>
      %dma_wait3A_213 = tpu.memref_slice %arg5[%mul3A_4] : memref<16384xf32, #tpu.memory_space<hbm>> -> memref<512xf32, #tpu.memory_space<hbm>>
      tpu.wait_dma2 semaphore(%run_scoped3A : memref<!tpu.dma_semaphore, #tpu.memory_space<semaphore_mem>>) src(%arg9 : memref<512xf32, #tpu.memory_space<vmem>>) dst(%dma_wait3A_213 : memref<512xf32, #tpu.memory_space<hbm>>)
      tpu.yield
    }) : () -> ()
    return
  }
}

</mosaic_0001>

<sc_bundles>
// kernel: _emb_lookup.3.cloned.1.call-start
scs
__scs_entry_jumppad:
0x0: {  	(pc) =	sbr.rel $0x88, $3  }
0x1: {  	(tag) =	ssettag $0x0;
	lr =	simm.s32 $0x1  }
0x2: {  	[smem:$0x3F9F] =	sst lr;
	_ =	strace $0xD0000000  }
0x3: {  	_ = 	snop  }
0x4: {  	_ = 	snop  }
0x5: {  	_ = 	snop  }
0x6: {  	_ = 	snop  }
0x7: {  	_ = 	snop  }
__scs_overlays_trampoline_lowered:
0x8: {  	[smem:$0x3FAE] =	sst s0  }
0x9: {  	[smem:$0x3FAF] =	sst s1  }
0xa: {  	[smem:$0x3FB0] =	sst s2  }
0xb: {  	[smem:$0x3FB1] =	sst s3  }
0xc: {  	[smem:$0x3FB2] =	sst s4  }
0xd: {  	[smem:$0x3FB3] =	sst s5  }
0xe: {  	[smem:$0x3FB4] =	sst s6  }
0xf: {  	[smem:$0x3FB5] =	sst s7  }
0x10: {  	[smem:$0x3FB6] =	sst s8  }
0x11: {  	[smem:$0x3FB7] =	sst s9;
	s0 =	simm.s32 @!p0 $0x0  }
0x12: {  	s1 =	sld [smem:$0x3F9D];
	s0 =	simm.s32 @p0 $0x1  }
0x13: {  	[smem:$0x3FB8] =	sst s0;
	s0 =	simm.s32 @!p1 $0x0  }
0x14: {  	s2 =	sld [smem:$0x3F9C];
	s0 =	simm.s32 @p1 $0x1  }
0x15: {  	[smem:$0x3FB9] =	sst s0;
	s0 =	simm.s32 @!p2 $0x0  }
0x16: {  	s3 =	sld [smem:$0x3FDB];
	s0 =	simm.s32 @p2 $0x1  }
0x17: {  	s4 =	simm.s32 $0x1BF5;
	[smem:$0x3FBB] =	sst s0  }
0x18: {  	s0 =	sld [smem:$0x3F9E];
	_ =	swait.ge [sflag:s4], $0x0  }
0x19: {  	s7 =	sld [smem:$0x3F9F]  }
0x1a: {  	s8 =	sadd.s32 $0xFFFFE003, lr  }
0x1b: {  	s9 =	sadd.s32 $0xFFFFFEF7, lr;
	s5 =	simm.s32 $0xFFFFFFFF;
	p2 =	slt.u32 s8, $0xFFFFF086  }
0x1c: {  	p1 =	slt.u32 s9, $0xF7A;
	s5 =	simm.s32 @!p2 $0x0  }
0x1d: {  	s5 =	simm.s32 @p1 $0x1;
	p0 =	seq.s32 s7, s2  }
0x1e: {  	s7 =	smul.u32 @!p0 $0xF7A, s2;
	p2 =	seq.s32 @!p0 s5, $0x0  }
0x1f: {  	s9 =	smul.u32 $0xF7A, s1;
	s8 =	simm.s32 @!p0 $0x1BF5;
	p2 =	por !p2, p0  }
0x20: {  	[sflag:s8] =	ssyncset.s32 @!p0 $0xFFFFF086;
	s6 =	sadd.s32 @!p0 s3, s7;
	s7 =	simm.s32 @!p0 $0x108  }
0x21: {  	s3 =	sadd.s32 s3, s9;
	s6 =	sadd.s32 @!p0 $0x88, s6;
	s7 =	simm.s32 @p2 $0x1082  }
0x22: {  	[simem:s7], [sflag:s8] =	dma.local @!p0 [hbm:s6], $0xF7A  }
0x23: {  	s9 =	sor.u32 $0xD0000000, s2;
	s6 =	simm.s32 $0x108;
	_ =	swait.ge @!p0 [sflag:s8], $0x0  }
0x24: {  	s3 =	sadd.s32 $0x88, s3;
	s6 =	simm.s32 @!p1 $0x1082;
	[sflag:s4] =	ssyncset.s32 $0xFFFFF086  }
0x25: {  	[simem:s6], [sflag:s4] =	dma.local [hbm:s3], $0xF7A  }
0x26: {  	[smem:$0x3F9F] =	sst s1;
	(tag) =	ssettag s2;
	_ =	strace s9  }
0x27: {  	s1 =	sld [smem:$0x3FAF]  }
0x28: {  	s2 =	sld [smem:$0x3FB0]  }
0x29: {  	s4 =	sld [smem:$0x3FB2]  }
0x2a: {  	p0 =	seq.s32 s5, $0x0;
	s5 =	sld [smem:$0x3FB3]  }
0x2b: {  	s6 =	sld [smem:$0x3FB4]  }
0x2c: {  	s7 =	sld [smem:$0x3FB5]  }
0x2d: {  	s3 =	simm.s32 $0x108;
	s8 =	sld [smem:$0x3FB6]  }
0x2e: {  	s3 =	simm.s32 @!p0 $0x1082;
	s9 =	sld [smem:$0x3FB7]  }
0x2f: {  	lr =	sadd.s32 s0, s3;
	s0 =	sld [smem:$0x3FAE]  }
0x30: {  	s3 =	sld [smem:$0x3FB1]  }
0x31: {  	[smem:$0x3FBA] =	sst s10  }
0x32: {  	s10 =	sld [smem:$0x3FB8];
	_ =	sdelay $0x3  }
0x33: {  	p0 =	seq.s32 s10, $0x1;
	s10 =	sld [smem:$0x3FBA];
	_ =	sdelay $0x3  }
0x34: {  	[smem:$0x3FBA] =	sst s10  }
0x35: {  	s10 =	sld [smem:$0x3FB9];
	_ =	sdelay $0x3  }
0x36: {  	p1 =	seq.s32 s10, $0x1;
	s10 =	sld [smem:$0x3FBA];
	_ =	sdelay $0x3  }
0x37: {  	[smem:$0x3FBA] =	sst s10  }
0x38: {  	s10 =	sld [smem:$0x3FBB]  }
0x39: {  	_ = 	snop;
	(pc) =	sbr.ind lr, $3  }
0x3a: {  	_ = 	snop  }
0x3b: {  	_ = 	snop  }
0x3c: {  	p2 =	seq.s32 s10, $0x1;
	s10 =	sld [smem:$0x3FBA]  }
0x3d: {  	_ =	shalt  }
0x3e: {  	_ =	shalt  }
0x3f: {  	_ =	shalt  }
0x40: {  	_ =	shalt  }
0x41: {  	_ =	shalt  }
0x42: {  	_ =	shalt  }
0x43: {  	_ =	shalt  }
0x44: {  	_ =	shalt  }
0x45: {  	_ =	shalt  }
0x46: {  	_ =	shalt  }
0x47: {  	_ =	shalt  }
0x48: {  	_ =	shalt  }
0x49: {  	_ =	shalt  }
0x4a: {  	_ =	shalt  }
0x4b: {  	_ =	shalt  }
0x4c: {  	_ =	shalt  }
0x4d: {  	_ =	shalt  }
0x4e: {  	_ =	shalt  }
0x4f: {  	_ =	shalt  }
0x50: {  	_ =	shalt  }
0x51: {  	_ =	shalt  }
0x52: {  	_ =	shalt  }
0x53: {  	_ =	shalt  }
0x54: {  	_ =	shalt  }
0x55: {  	_ =	shalt  }
0x56: {  	_ =	shalt  }
0x57: {  	_ =	shalt  }
0x58: {  	_ =	shalt  }
0x59: {  	_ =	shalt  }
0x5a: {  	_ =	shalt  }
0x5b: {  	_ =	shalt  }
0x5c: {  	_ =	shalt  }
0x5d: {  	_ =	shalt  }
0x5e: {  	_ =	shalt  }
0x5f: {  	_ =	shalt  }
0x60: {  	_ =	shalt  }
0x61: {  	_ =	shalt  }
0x62: {  	_ =	shalt  }
0x63: {  	_ =	shalt  }
0x64: {  	_ =	shalt  }
0x65: {  	_ =	shalt  }
0x66: {  	_ =	shalt  }
0x67: {  	_ =	shalt  }
0x68: {  	_ =	shalt  }
0x69: {  	_ =	shalt  }
0x6a: {  	_ =	shalt  }
0x6b: {  	_ =	shalt  }
0x6c: {  	_ =	shalt  }
0x6d: {  	_ =	shalt  }
0x6e: {  	_ =	shalt  }
0x6f: {  	_ =	shalt  }
0x70: {  	_ =	shalt  }
0x71: {  	_ =	shalt  }
0x72: {  	_ =	shalt  }
0x73: {  	_ =	shalt  }
0x74: {  	_ =	shalt  }
0x75: {  	_ =	shalt  }
0x76: {  	_ =	shalt  }
0x77: {  	_ =	shalt  }
0x78: {  	_ =	shalt  }
0x79: {  	_ =	shalt  }
0x7a: {  	_ =	shalt  }
0x7b: {  	_ =	shalt  }
0x7c: {  	_ =	shalt  }
0x7d: {  	_ =	shalt  }
0x7e: {  	_ =	shalt  }
0x7f: {  	_ =	shalt  }
0x80: {  	_ =	shalt  }
0x81: {  	_ =	shalt  }
0x82: {  	_ =	shalt  }
0x83: {  	_ =	shalt  }
0x84: {  	_ =	shalt  }
0x85: {  	_ =	shalt  }
0x86: {  	_ =	shalt  }
0x87: {  	_ =	shalt  }
.Lfunc_end0:
.L_simem_size_0:
called_computation.1_lowered:
.L_overlay_start_0:
0x88: {  	s2 =	sld [smem:$0x3FD9]  }
0x89: {  	s3 =	sld [smem:$0x3FFE];
	_ =	sdelay $0x1  }
0x8a: {  	s1 =	srdreg.scid  }
0x8b: {  	s0 =	sand.u32 $0x1, s1  }
0x8c: {  	s14 =	sshll.u32 s0, $0xA;
	s2 =	sadd.s32 s3, s2  }
0x8d: {  	s2 =	sadd.s32 s2, s14  }
0x8e: {  	[smem:$0x3FC6] =	sst s2  }
0x8f: {  	_ = 	snop  }
0x90: {  	s2 =	sld [smem:$0x3FD0];
	_ =	sdelay $0x2  }
0x91: {  	s4 =	simm.s32 $0xA;
	s5 =	simm.s32 $0x10;
	s15 =	sld [smem:$0x3FC9]  }
0x92: {  	[smem:s5], [sflag:s4] =	dma.local [hbm:s2], $0x1  }
0x93: {  	_ =	swait.eq [sflag:s4], $0x1  }
0x94: {  	[sflag:s4] =	ssyncset.done $0x0  }
0x95: {  	s16 =	sld [smem:$0x10];
	[sflag:s4] =	ssyncadd.s32 $0xFFFFFFFF  }
0x96: {  	s17 =	sld [smem:$0x11];
	(tm) =	ssettm $0x1  }
0x97: {  	s18 =	sld [smem:$0x3FFB];
	_ =	sdelay $0x3  }
0x98: {  	_ =	strace s18  }
0x99: {  	s5 =	sld [smem:$0x3FFC];
	_ =	sdelay $0x3  }
0x9a: {  	_ =	strace s5  }
0x9b: {  	s5 =	sld [smem:$0x3FFD];
	_ =	sdelay $0x3  }
0x9c: {  	_ =	strace s5  }
0x9d: {  	_ =	strace $0x8FFFFFFF  }
0x9e: {  	s19 =	sld [smem:$0x3FDB];
	_ =	sdelay $0x1  }
0x9f: {  	s6 =	simm.s32 $_scs_section_size  }
0xa0: {  	s7 =	simm.s32 $_size__tile_overlayer_lowered;
	s8 =	simm.s32 $_tile_overlayer_lowered  }
0xa1: {  	s22 =	simm.s32 $0x1BFF;
	s21 =	sshll.u32 s8, $0x1;
	s5 =	sadd.s32 s6, s19  }
0xa2: {  	s9 =	simm.s32 $0x0;
	s20 =	sshll.u32 s7, $0x1;
	s7 =	sadd.s32 s21, s5  }
0xa3: {  	[timem:s9], [sflag:s22] =	dma.local [hbm:s7], s20  }
0xa4: {  	_ =	swait.ge [sflag:s22], s20  }
0xa5: {  	s6 =	ssub.s32 $0x0, s20;
	[sflag:s22] =	ssyncset.done $0x0  }
0xa6: {  	[sflag:s22] =	ssyncadd.s32 s6;
	_ =	sdelay $0x1  }
0xa7: {  	s23 =	simm.s32 $0x1B8B  }
0xa8: {  	_ =	swait.ge [sflag:s23], $0x1  }
0xa9: {  	[sflag:s23] =	ssyncset.done $0x0  }
0xaa: {  	s25 =	simm.s32 $0x1B8E;
	s24 =	sld [smem:$0x3FFE];
	[sflag:s23] =	ssyncadd.s32 $0xFFFFFFFF  }
0xab: {  	s26 =	simm.s32 $execute0_lowered;
	[smem:$0x3FD2] =	sst s25  }
0xac: {  	s7 =	sshll.u32 s26, $0x1;
	_ =	strace $0x80000046;
	[dreg:$0x1] =	wrdreg $0xFFFFFFFF  }
0xad: {  	s28 =	simm.s32 $_size_execute0_lowered;
	s5 =	sadd.s32 s5, s7;
	[dreg:$0x0] =	wrdreg $0x0  }
0xae: {  	s7 =	sshll.u32 s28, $0x1;
	[dreg:$0x2] =	wrdreg s5  }
0xaf: {  	[dreg:$0x3] =	wrdreg s7  }
0xb0: {  	[dreg:$0x4] =	wrdreg $0xC0  }
0xb1: {  	_ =	task [dreg:s9], $0x5FFFF  }
0xb2: {  	[dreg:$0x1] =	wrdreg $0xFFFFFFFF  }
0xb3: {  	[dreg:$0x0] =	wrdreg $0x60  }
0xb4: {  	[dreg:$0x2] =	wrdreg s15  }
0xb5: {  	[dreg:$0x3] =	wrdreg s24  }
0xb6: {  	[dreg:$0x4] =	wrdreg s16  }
0xb7: {  	[dreg:$0x5] =	wrdreg s17  }
0xb8: {  	[dreg:$0x6] =	wrdreg $0x9  }
0xb9: {  	_ =	task.clear_ibuf [dreg:s9], $0x7FFFF;
	_ =	strace $0x90000046  }
0xba: {  	s29 =	simm.s32 $0x9;
	_ =	strace $0x80000048  }
0xbb: {  	_ =	swait.ge [sflag:s29], $0x1  }
0xbc: {  	[sflag:s29] =	ssyncadd.s32 $0xFFFFFFFF  }
0xbd: {  	_ =	strace $0x90000048  }
0xbe: {  	_ =	sfence  }
0xbf: {  	s30 =	sld [smem:$0x0];
	_ =	sdelay $0x2  }
0xc0: {  	s31 =	sshll.u32 s1, $0xD;
	s1 =	sshrl.u32 s1, $0x2  }
0xc1: {  	s3 =	sand.u32 $0x4000, s31;
	s1 =	sadd.s32 s1, s30  }
0xc2: {  	s0 =	sor.u32 s3, s0;
	s1 =	sshll.u32 s1, $0x11  }
0xc3: {  	s0 =	sor.u32 s1, s0  }
0xc4: {  	s0 =	sadd.s32 $0x8F2B, s0  }
0xc5: {  	[sflag:s0] =	ssyncadd.remote.s32 $0x1  }
0xc6: {  	_ =	sfence.sel $0xFFFF  }
0xc7: {  	[dreg:$0x0] =	wrdreg $0xFFFFFFFF;
	(pc) =	sbr.abs _section_cstart, $3  }
0xc8: {  	[dreg:$0x1] =	wrdreg $0xFFFFFFFF  }
0xc9: {  	_ =	task.clear_ibuf [dreg:s9], $0x2FFFF;
	_ =	strace $0x9FFFFFFF  }
0xca: {  	(tm) =	ssettm $0x7FFFFFFF  }
0xcb: {  	_ =	shalt  }
tec
execute0_lowered:
.L_overlay_start_1:
0x0: {  	(tag) =	ssettag $0x1  }
0x1: {  	s0 =	rddreg [dreg:$0x0]  }
0x2: {  	s1 =	rddreg [dreg:$0x1]  }
0x3: {  	s5 =	rddreg [dreg:$0x2]  }
0x4: {  	s13 =	rddreg [dreg:$0x3];
	s3 =	srdreg.scid  }
0x5: {  	s6 =	stileid.u32;
	s2 =	simm.s32 $0x0;
	s15 =	simm.s32 $0x5  }
0x6: {  	s16 =	simm.s32 $0x280;
	s17 =	simm.s32 $0x1400;
	s18 =	simm.s32 $0xB400  }
0x7: {  	s19 =	simm.s32 $0x1;
	s20 =	simm.s32 $0x3;
	s28 =	simm.s32 $0xF00  }
0x8: {  	s29 =	simm.s32 $0x1180;
	s30 =	simm.s32 $0x15400;
	s31 =	simm.s32 $0x0  }
0x9: {  	v7 =	vimm.s32 $0x1070503;
	s4 =	sand.u32 $0x1, s3;
	s22 =	sshll.u32 s6, $0x1;
	[smem:$0x7FF] =	sst s2  }
0xa: {  	v9 =	vimm.s32 $0x2000604;
	s3 =	sadd.s32 $0x165000, s1;
	s14 =	sor.u32 s4, s22;
	_ =	strace $0x80000047  }
0xb: {  	v1 =	vlaneseq.u32;
	v11 =	vimm.s32 $0x3010705;
	v13 =	vimm.s32 $0x4020006;
	s24 =	ssub.s32 $0x2, s4;
	s22 =	simm.s32 $0x2;
	s23 =	smul.u32 $0x50000, s14  }
0xc: {  	v5 =	vimm.s32 $0x60402;
	v15 =	vimm.s32 $0x5030107;
	v0 =	vmul.u32 $0xA, v1;
	s25 =	smul.u32 $0xA000, s14;
	s7 =	sshrl.u32 s24, $0x1;
	s26 =	sshll.u32 s14, $0x6  }
0xd: {  	v1 =	vand.u32 $0x3, v1;
	v5 =	vunpack.c.0.s8.s32 v5;
	v7 =	vunpack.c.0.s8.s32 v7;
	s8 =	smul.u32 $0x280, s14;
	s1 =	ssub.s32 s24, s7;
	s13 =	sadd.s32 s13, s26  }
0xe: {  	v9 =	vunpack.c.0.s8.s32 v9;
	v11 =	vunpack.c.0.s8.s32 v11;
	v13 =	vunpack.c.0.s8.s32 v13;
	s26 =	simm.s32 $0xC80;
	s6 =	sshrl.u32 s23, $0x3;
	s4 =	sadd.s32 s5, s25  }
0xf: {  	v15 =	vunpack.c.0.s8.s32 v15;
	v1 =	vmul.u32 $0x2, v1;
	v2 =	vor.u32 $0x1, v0;
	s14 =	smax.u32 s1, $0x1;
	s23 =	simm.s32 $0x4;
	s25 =	simm.s32 $0xA00  }
0x10: {  	v4 =	vadd.s32 $0x2, v0;
	v6 =	vadd.s32 $0x3, v0;
	v8 =	vadd.s32 $0x4, v0;
	s12 =	sadd.s32 s5, s6;
	s5 =	sadd.s32 s0, s8;
	s6 =	sadd.s32 $0x1400, s4  }
0x11: {  	v10 =	vadd.s32 $0x5, v0;
	v12 =	vadd.s32 $0x6, v0;
	v14 =	vadd.s32 $0x7, v0;
	s7 =	sadd.s32 $0x2800, s12;
	s8 =	sadd.s32 $0x3C00, s12;
	s9 =	sadd.s32 $0x5000, s12  }
0x12: {  	v16 =	vadd.s32 $0x8, v0;
	v17 =	vadd.s32 $0x9, v0;
	v3 =	vor.u32 $0x1, v1;
	s10 =	sadd.s32 $0x6400, s12;
	s11 =	sadd.s32 $0x7800, s12;
	s12 =	sadd.s32 $0x8C00, s12  }
.LBB2_1:
0x13: {  	v18 =	vmov s2  }
0x14: {  	v18 =	vmul.u32 $0xA, v18;
	_ =	sdelay $0x1  }
0x15: {  	v18 =	vbroadcast v18, $0x0;
	_ =	sdelay $0x1  }
0x16: {  	v19 =	vadd.s32 v0, v18;
	v20 =	vadd.s32 v2, v18;
	v21 =	vadd.s32 v10, v18  }
0x17: {  	v23 =	vadd.s32 v4, v18;
	v24 =	vadd.s32 v8, v18;
	v25 =	vadd.s32 v12, v18  }
0x18: {  	v27 =	vadd.s32 v16, v18;
	v19 =	vand.u32 $0xFFFFFFF8, v19;
	v20 =	vand.u32 $0xFFFFFFF8, v20  }
0x19: {  	v21 =	vand.u32 $0xFFFFFFF8, v21;
	v25 =	vand.u32 $0xFFFFFFF8, v25;
	v23 =	vand.u32 $0xFFFFFFF8, v23  }
0x1a: {  	[tilespmem:s2], [sflag:$0x5] =	stream.linear.gather [hbm4b:s5+s2], $0x1400, $0x38;
	v27 =	vand.u32 $0xFFFFFFF8, v27;
	v22 =	vor.u32 v1, v19;
	v19 =	vadd.s32 v14, v18;
	[tilespmem:$0x15600] =	vst v63  }
0x1b: {  	s0 =	simm.s32 $0x10;
	_ =	swait.ge [sflag:s15], $0x1400;
	v24 =	vand.u32 $0xFFFFFFF8, v24;
	v26 =	vand.u32 $0xFFFFFFF8, v19;
	v19 =	vadd.s32 v6, v18  }
0x1c: {  	[sflag:s15] =	ssyncset.done $0x0;
	v28 =	vor.u32 v5, v23;
	v23 =	vmov s0;
	v19 =	vand.u32 $0xFFFFFFF8, v19  }
0x1d: {  	[sflag:s15] =	ssyncadd.s32 $0xFFFFEC00;
	v20 =	vor.u32 v3, v20;
	v32 =	vor.u32 v7, v19;
	v19 =	vmul.u32 $0xA, v23  }
0x1e: {  	[tilespmem:s17], [sflag:$0x1] =	stream.indirect.gather [hbm4b:s3+s16], $0x40, s2, s16, $0xb8;
	v24 =	vor.u32 v9, v24;
	v34 =	vor.u32 v11, v21;
	v18 =	vadd.s32 v17, v18;
	[tilespmem:$0x15600] =	vst v63  }
0x1f: {  	v27 =	vor.u32 v1, v27;
	v18 =	vand.u32 $0xFFFFFFF8, v18;
	v19 =	vbroadcast v19, $0x0  }
0x20: {  	[tilespmem:s18], [sflag:$0x2] =	stream.indirect.gather [hbm4b:s3+s16], $0x40, s16, s16, $0xb8;
	v29 =	vor.u32 v15, v26;
	v23 =	vor.u32 v13, v25;
	v25 =	vor.u32 v3, v18;
	[tilespmem:$0x15600] =	vst v63  }
0x21: {  	v26 =	vld.idx.msk [tilespmem:v28+s2+$0x0], $0xffff;
	v18 =	vadd.s32 v0, v19;
	v21 =	vadd.s32 v2, v19;
	v30 =	vadd.s32 v10, v19  }
0x22: {  	v31 =	vld.idx.msk [tilespmem:v20+s2+$0x0], $0xffff;
	v35 =	vadd.s32 v14, v19;
	v18 =	vand.u32 $0xFFFFFFF8, v18;
	v28 =	vand.u32 $0xFFFFFFF8, v21  }
0x23: {  	v33 =	vld.idx.msk [tilespmem:v22+s2+$0x0], $0xffff;
	v21 =	vand.u32 $0xFFFFFFF8, v30;
	v30 =	vadd.s32 v4, v19;
	v22 =	vand.u32 $0xFFFFFFF8, v35  }
0x24: {  	s21 =	simm.s32 $0x20;
	s1 =	simm.s32 $0x15400;
	s0 =	simm.s32 $0x15400;
	v32 =	vld.idx.msk [tilespmem:v32+s2+$0x0], $0xffff;
	v18 =	vor.u32 v1, v18;
	v20 =	vor.u32 v3, v28;
	v28 =	vadd.s32 v8, v19  }
.LBB2_2:
0x25: {  	p0 =	sne.s32 s21, $0x30  }
0x26: {  	v35 =	vadd.s32 v6, v19;
	v36 =	vadd.s32 v12, v19;
	v37 =	vadd.s32 v16, v19;
	v34 =	vld.idx.msk [tilespmem:v34+s2+$0x0], $0xffff;
	s0 =	sadd.s32 $0x10, s0;
	s24 =	smov.u32 s21;
	s21 =	sadd.s32 $0x10, s21  }
0x27: {  	v35 =	vand.u32 $0xFFFFFFF8, v35;
	v36 =	vand.u32 $0xFFFFFFF8, v36;
	v37 =	vand.u32 $0xFFFFFFF8, v37;
	v38 =	vld.idx.msk [tilespmem:v24+s2+$0x0], $0xffff  }
0x28: {  	v24 =	vand.u32 $0xFFFFFFF8, v30;
	vm0 =	vlt.s32 v26, $0x1;
	v35 =	vor.u32 v7, v35;
	v30 =	vld.idx.msk [tilespmem:v23+s2+$0x0], $0xffff  }
0x29: {  	v39 =	vor.u32 v5, v24;
	v23 =	vor.u32 v13, v36;
	vm1 =	vlt.s32 v31, $0x1;
	v29 =	vld.idx.msk [tilespmem:v29+s2+$0x0], $0xffff  }
0x2a: {  	v24 =	vand.u32 $0xFFFFFFF8, v28;
	vm2 =	vlt.s32 v33, $0x1;
	v28 =	vnsel vm1, $0x1, v31;
	v27 =	vld.idx.msk [tilespmem:v27+s2+$0x0], $0xffff  }
0x2b: {  	v24 =	vor.u32 v9, v24;
	v31 =	vnsel vm2, $0x1, v33;
	vm1 =	vlt.s32 v32, $0x1;
	v25 =	vld.idx.msk [tilespmem:v25+s2+$0x0], $0xffff  }
0x2c: {  	v26 =	vnsel vm0, $0x1, v26;
	v28 =	vadd.s32 v31, v28;
	v31 =	vnsel vm1, $0x1, v32  }
0x2d: {  	vm1 =	vlt.s32 v34, $0x1;
	v26 =	vadd.s32 v26, v28;
	vm0 =	vlt.s32 v38, $0x1  }
0x2e: {  	v26 =	vadd.s32 v31, v26;
	v28 =	vnsel vm0, $0x1, v38;
	vm0 =	vlt.s32 v30, $0x1  }
0x2f: {  	v26 =	vadd.s32 v28, v26;
	v28 =	vnsel vm1, $0x1, v34;
	vm1 =	vlt.s32 v29, $0x1  }
0x30: {  	v26 =	vadd.s32 v28, v26;
	v28 =	vnsel vm0, $0x1, v30;
	vm0 =	vlt.s32 v27, $0x1  }
0x31: {  	v26 =	vadd.s32 v28, v26;
	v28 =	vnsel vm1, $0x1, v29;
	vm1 =	vlt.s32 v25, $0x1  }
0x32: {  	v19 =	vadd.s32 v17, v19;
	v27 =	vnsel vm0, $0x1, v27;
	v26 =	vadd.s32 v28, v26  }
0x33: {  	v19 =	vand.u32 $0xFFFFFFF8, v19;
	v26 =	vadd.s32 v27, v26;
	v27 =	vnsel vm1, $0x1, v25  }
0x34: {  	v25 =	vor.u32 v3, v19;
	v19 =	vadd.s32 v27, v26  }
0x35: {  	v26 =	vmov s24;
	vm0 =	vgt.s32 v19, $0x1  }
0x36: {  	v26 =	vmul.u32 $0xA, v26;
	v19 =	vnsel vm0, $0x1, v19  }
0x37: {  	v28 =	vcvt.s32.f32 v19  }
0x38: {  	v19 =	vbroadcast v26, $0x0  }
.Ltmp0:
0x39: {  	v34 =	vor.u32 v11, v21;
	v29 =	vor.u32 v15, v22;
	v27 =	vor.u32 v1, v37;
	[tilespmem:s1+$0x0] =	vst v28;
	s1 =	smov.u32 s0;
	(pc) =	sbr.rel @p0 .LBB2_2-.Ltmp0, $4  }
0x3a: {  	v21 =	vadd.s32 v0, v19;
	v22 =	vadd.s32 v2, v19;
	v28 =	vadd.s32 v10, v19;
	v26 =	vld.idx.msk [tilespmem:v39+s2+$0x0], $0xffff  }
0x3b: {  	v30 =	vand.u32 $0xFFFFFFF8, v21;
	v22 =	vand.u32 $0xFFFFFFF8, v22;
	v21 =	vand.u32 $0xFFFFFFF8, v28;
	v31 =	vld.idx.msk [tilespmem:v20+s2+$0x0], $0xffff  }
0x3c: {  	v20 =	vor.u32 v3, v22;
	v22 =	vadd.s32 v14, v19;
	v33 =	vld.idx.msk [tilespmem:v18+s2+$0x0], $0xffff;
	v18 =	vor.u32 v1, v30  }
0x3d: {  	v28 =	vadd.s32 v8, v19;
	v30 =	vadd.s32 v4, v19;
	v22 =	vand.u32 $0xFFFFFFF8, v22;
	v32 =	vld.idx.msk [tilespmem:v35+s2+$0x0], $0xffff  }
0x3e: {  	_ =	sdelay $0x3  }
0x3f: {  	v24 =	vld.idx.msk [tilespmem:v24+s2+$0x0], $0xffff  }
0x40: {  	v34 =	vld.idx.msk [tilespmem:v34+s2+$0x0], $0xffff  }
0x41: {  	v23 =	vld.idx.msk [tilespmem:v23+s2+$0x0], $0xffff;
	vm0 =	vlt.s32 v31, $0x1;
	vm1 =	vlt.s32 v33, $0x1  }
0x42: {  	v29 =	vld.idx.msk [tilespmem:v29+s2+$0x0], $0xffff;
	vm2 =	vlt.s32 v26, $0x1;
	v31 =	vnsel vm0, $0x1, v31;
	v33 =	vnsel vm1, $0x1, v33  }
0x43: {  	v27 =	vld.idx.msk [tilespmem:v27+s2+$0x0], $0xffff;
	v26 =	vnsel vm2, $0x1, v26;
	vm9 =	vlt.s32 v32, $0x1;
	v31 =	vadd.s32 v33, v31  }
0x44: {  	v25 =	vld.idx.msk [tilespmem:v25+s2+$0x0], $0xffff;
	v32 =	vnsel vm9, $0x1, v32;
	vm10 =	vlt.s32 v24, $0x1;
	v26 =	vadd.s32 v26, v31  }
0x45: {  	vm11 =	vlt.s32 v34, $0x1;
	v24 =	vnsel vm10, $0x1, v24;
	v26 =	vadd.s32 v32, v26  }
0x46: {  	vm12 =	vlt.s32 v23, $0x1;
	v24 =	vadd.s32 v24, v26;
	v26 =	vnsel vm11, $0x1, v34  }
0x47: {  	vm13 =	vlt.s32 v29, $0x1;
	v23 =	vnsel vm12, $0x1, v23;
	v24 =	vadd.s32 v26, v24  }
0x48: {  	vm14 =	vlt.s32 v27, $0x1;
	v23 =	vadd.s32 v23, v24;
	v24 =	vnsel vm13, $0x1, v29  }
0x49: {  	vm15 =	vlt.s32 v25, $0x1;
	v23 =	vadd.s32 v24, v23;
	v24 =	vnsel vm14, $0x1, v27  }
0x4a: {  	v23 =	vadd.s32 v24, v23;
	v24 =	vnsel vm15, $0x1, v25  }
0x4b: {  	v23 =	vadd.s32 v24, v23  }
0x4c: {  	vm4 =	vgt.s32 v23, $0x1  }
0x4d: {  	v25 =	vand.u32 $0xFFFFFFF8, v30;
	v24 =	vadd.s32 v6, v19;
	v23 =	vnsel vm4, $0x1, v23  }
0x4e: {  	v25 =	vor.u32 v5, v25;
	v24 =	vand.u32 $0xFFFFFFF8, v24;
	v23 =	vcvt.s32.f32 v23  }
0x4f: {  	v26 =	vand.u32 $0xFFFFFFF8, v28;
	v24 =	vor.u32 v7, v24  }
0x50: {  	v26 =	vor.u32 v9, v26;
	v27 =	vadd.s32 v12, v19;
	[tilespmem:s1+$0x0] =	vst v23  }
0x51: {  	v21 =	vor.u32 v11, v21;
	v23 =	vand.u32 $0xFFFFFFF8, v27;
	v20 =	vld.idx.msk [tilespmem:v20+s2+$0x0], $0xffff  }
0x52: {  	v27 =	vadd.s32 v16, v19;
	v23 =	vor.u32 v13, v23;
	v18 =	vld.idx.msk [tilespmem:v18+s2+$0x0], $0xffff  }
0x53: {  	v22 =	vor.u32 v15, v22;
	v19 =	vadd.s32 v17, v19;
	v27 =	vand.u32 $0xFFFFFFF8, v27;
	v25 =	vld.idx.msk [tilespmem:v25+s2+$0x0], $0xffff  }
0x54: {  	v19 =	vand.u32 $0xFFFFFFF8, v19;
	v27 =	vor.u32 v1, v27;
	v24 =	vld.idx.msk [tilespmem:v24+s2+$0x0], $0xffff  }
0x55: {  	v26 =	vld.idx.msk [tilespmem:v26+s2+$0x0], $0xffff;
	v19 =	vor.u32 v3, v19  }
0x56: {  	v21 =	vld.idx.msk [tilespmem:v21+s2+$0x0], $0xffff  }
0x57: {  	v23 =	vld.idx.msk [tilespmem:v23+s2+$0x0], $0xffff;
	vm5 =	vlt.s32 v20, $0x1;
	vm6 =	vlt.s32 v18, $0x1  }
0x58: {  	v22 =	vld.idx.msk [tilespmem:v22+s2+$0x0], $0xffff;
	vm7 =	vlt.s32 v25, $0x1;
	v20 =	vnsel vm5, $0x1, v20;
	v18 =	vnsel vm6, $0x1, v18  }
0x59: {  	v27 =	vld.idx.msk [tilespmem:v27+s2+$0x0], $0xffff;
	vm8 =	vlt.s32 v24, $0x1;
	v18 =	vadd.s32 v18, v20;
	v20 =	vnsel vm7, $0x1, v25  }
0x5a: {  	vm9 =	vlt.s32 v26, $0x1;
	v19 =	vld.idx.msk [tilespmem:v19+s2+$0x0], $0xffff;
	v24 =	vnsel vm8, $0x1, v24;
	v18 =	vadd.s32 v20, v18  }
0x5b: {  	vm10 =	vlt.s32 v21, $0x1;
	v20 =	vnsel vm9, $0x1, v26;
	v18 =	vadd.s32 v24, v18  }
0x5c: {  	vm11 =	vlt.s32 v23, $0x1;
	v18 =	vadd.s32 v20, v18;
	v20 =	vnsel vm10, $0x1, v21  }
0x5d: {  	vm12 =	vlt.s32 v22, $0x1;
	v18 =	vadd.s32 v20, v18;
	v20 =	vnsel vm11, $0x1, v23  }
0x5e: {  	vm13 =	vlt.s32 v27, $0x1;
	v18 =	vadd.s32 v20, v18;
	v20 =	vnsel vm12, $0x1, v22  }
0x5f: {  	vm14 =	vlt.s32 v19, $0x1;
	v18 =	vadd.s32 v20, v18;
	v20 =	vnsel vm13, $0x1, v27  }
0x60: {  	v19 =	vnsel vm14, $0x1, v19;
	v18 =	vadd.s32 v20, v18  }
0x61: {  	v18 =	vadd.s32 v19, v18  }
0x62: {  	vm15 =	vgt.s32 v18, $0x1  }
0x63: {  	v18 =	vnsel vm15, $0x1, v18  }
0x64: {  	v18 =	vcvt.s32.f32 v18  }
0x65: {  	s0 =	sadd.s32 $0x10, s0;
	s24 =	simm.s32 $0x40  }
0x66: {  	[tilespmem:s0+$0x0] =	vst v18;
	v18 =	vmov s24  }
0x67: {  	v18 =	vmul.u32 $0xA, v18  }
0x68: {  	_ =	swait.ge [sflag:s19], $0xA000  }
0x69: {  	s21 =	simm.s32 $0x50;
	[sflag:s19] =	ssyncset.done $0x0;
	v21 =	vbroadcast v18, $0x0  }
0x6a: {  	v19 =	vmov s21;
	[sflag:s19] =	ssyncadd.s32 $0xFFFF6000  }
0x6b: {  	v19 =	vmul.u32 $0xA, v19;
	[hbm4b:s4+s2] =	stream.linear.scatter [tilespmem:s17], [sflag:$0x3], $0xA000, $0x38;
	v18 =	vadd.s32 v2, v21;
	[tilespmem:$0x15600] =	vst v63  }
0x6c: {  	_ =	swait.ge [sflag:s20], $0xA000;
	v20 =	vadd.s32 v0, v21  }
0x6d: {  	v28 =	vbroadcast v19, $0x0;
	v31 =	vadd.s32 v4, v21;
	[sflag:s20] =	ssyncset.done $0x0  }
0x6e: {  	s24 =	simm.s32 $0x500;
	[sflag:s20] =	ssyncadd.s32 $0xFFFF6000  }
0x6f: {  	v19 =	vadd.s32 v2, v28;
	v26 =	vadd.s32 v6, v21;
	[tilespmem:s17], [sflag:$0x1] =	stream.indirect.gather [hbm4b:s3+s16], $0x40, s24, s16, $0xb8;
	[tilespmem:$0x15600] =	vst v63  }
0x70: {  	v23 =	vadd.s32 v16, v28;
	v29 =	vadd.s32 v6, v28;
	v27 =	vadd.s32 v8, v21;
	v30 =	vld.idx.msk [tilespmem:v18+s2+$0x0], $0xffff  }
0x71: {  	v22 =	vadd.s32 v16, v21;
	v25 =	vadd.s32 v10, v21;
	v24 =	vadd.s32 v12, v21;
	v32 =	vld.idx.msk [tilespmem:v20+s2+$0x0], $0xffff  }
0x72: {  	s1 =	simm.s32 $0x15440;
	s21 =	simm.s32 $0x60;
	s0 =	simm.s32 $0x15440;
	v33 =	vadd.s32 v14, v21;
	v18 =	vadd.s32 v0, v28;
	v20 =	vadd.s32 v4, v28;
	v31 =	vld.idx.msk [tilespmem:v31+s2+$0x0], $0xffff  }
.LBB2_4:
0x73: {  	p0 =	sne.s32 s21, $0x70  }
0x74: {  	v34 =	vld.idx.msk [tilespmem:v26+s2+$0x0], $0xffff;
	s0 =	sadd.s32 $0x10, s0;
	v26 =	vmov v29;
	s24 =	smov.u32 s21;
	s21 =	sadd.s32 $0x10, s21  }
0x75: {  	v35 =	vadd.s32 v17, v21;
	v21 =	vmov v28;
	v29 =	vld.idx.msk [tilespmem:v27+s2+$0x0], $0xffff;
	v27 =	vadd.s32 v8, v28  }
0x76: {  	v28 =	vld.idx.msk [tilespmem:v25+s2+$0x0], $0xffff;
	v25 =	vadd.s32 v10, v21  }
0x77: {  	vm0 =	vlt.s32 v30, $0x1;
	v36 =	vld.idx.msk [tilespmem:v24+s2+$0x0], $0xffff;
	v24 =	vadd.s32 v12, v21  }
0x78: {  	vm1 =	vlt.s32 v32, $0x1;
	v30 =	vnsel vm0, $0x1, v30;
	v33 =	vld.idx.msk [tilespmem:v33+s2+$0x0], $0xffff  }
0x79: {  	v32 =	vnsel vm1, $0x1, v32;
	vm0 =	vlt.s32 v31, $0x1;
	v37 =	vld.idx.msk [tilespmem:v22+s2+$0x0], $0xffff;
	v22 =	vmov v23  }
0x7a: {  	v23 =	vadd.s32 v32, v30;
	v30 =	vnsel vm0, $0x1, v31;
	vm0 =	vlt.s32 v34, $0x1;
	v31 =	vld.idx.msk [tilespmem:v35+s2+$0x0], $0xffff  }
0x7b: {  	v23 =	vadd.s32 v30, v23;
	v30 =	vnsel vm0, $0x1, v34;
	vm0 =	vlt.s32 v29, $0x1  }
0x7c: {  	v23 =	vadd.s32 v30, v23;
	v29 =	vnsel vm0, $0x1, v29;
	vm0 =	vlt.s32 v28, $0x1  }
0x7d: {  	v23 =	vadd.s32 v29, v23;
	v28 =	vnsel vm0, $0x1, v28;
	vm0 =	vlt.s32 v36, $0x1  }
0x7e: {  	v23 =	vadd.s32 v28, v23;
	v28 =	vnsel vm0, $0x1, v36;
	vm0 =	vlt.s32 v33, $0x1  }
0x7f: {  	v23 =	vadd.s32 v28, v23;
	v28 =	vnsel vm0, $0x1, v33;
	vm0 =	vlt.s32 v37, $0x1  }
0x80: {  	v23 =	vadd.s32 v28, v23;
	v28 =	vnsel vm0, $0x1, v37;
	vm0 =	vlt.s32 v31, $0x1  }
0x81: {  	v23 =	vadd.s32 v28, v23;
	v28 =	vnsel vm0, $0x1, v31  }
0x82: {  	v23 =	vadd.s32 v28, v23  }
0x83: {  	v28 =	vmov s24;
	vm0 =	vgt.s32 v23, $0x1  }
0x84: {  	v28 =	vmul.u32 $0xA, v28;
	v23 =	vnsel vm0, $0x1, v23  }
0x85: {  	v23 =	vcvt.s32.f32 v23  }
.Ltmp1:
0x86: {  	v28 =	vbroadcast v28, $0x0;
	(pc) =	sbr.rel @p0 .LBB2_4-.Ltmp1, $4  }
0x87: {  	[tilespmem:s1+$0x0] =	vst v23;
	s1 =	smov.u32 s0  }
0x88: {  	v31 =	vadd.s32 v0, v28;
	v23 =	vadd.s32 v16, v28;
	v30 =	vld.idx.msk [tilespmem:v19+s2+$0x0], $0xffff;
	v19 =	vadd.s32 v2, v28  }
0x89: {  	v34 =	vadd.s32 v4, v28;
	v29 =	vadd.s32 v6, v28;
	v32 =	vld.idx.msk [tilespmem:v18+s2+$0x0], $0xffff;
	v18 =	vmov v31  }
0x8a: {  	v33 =	vadd.s32 v14, v21;
	v31 =	vld.idx.msk [tilespmem:v20+s2+$0x0], $0xffff;
	v20 =	vmov v34  }
0x8b: {  	_ =	sdelay $0x3  }
0x8c: {  	v26 =	vld.idx.msk [tilespmem:v26+s2+$0x0], $0xffff  }
0x8d: {  	v27 =	vld.idx.msk [tilespmem:v27+s2+$0x0], $0xffff;
	v21 =	vadd.s32 v17, v21  }
0x8e: {  	v25 =	vld.idx.msk [tilespmem:v25+s2+$0x0], $0xffff  }
0x8f: {  	v24 =	vld.idx.msk [tilespmem:v24+s2+$0x0], $0xffff;
	vm0 =	vlt.s32 v30, $0x1;
	vm1 =	vlt.s32 v32, $0x1  }
0x90: {  	v33 =	vld.idx.msk [tilespmem:v33+s2+$0x0], $0xffff;
	v30 =	vnsel vm0, $0x1, v30;
	v32 =	vnsel vm1, $0x1, v32;
	vm8 =	vlt.s32 v31, $0x1  }
0x91: {  	v22 =	vld.idx.msk [tilespmem:v22+s2+$0x0], $0xffff;
	v30 =	vadd.s32 v32, v30;
	v31 =	vnsel vm8, $0x1, v31;
	vm9 =	vlt.s32 v26, $0x1  }
0x92: {  	v21 =	vld.idx.msk [tilespmem:v21+s2+$0x0], $0xffff;
	vm10 =	vlt.s32 v27, $0x1;
	v30 =	vadd.s32 v31, v30;
	v26 =	vnsel vm9, $0x1, v26  }
0x93: {  	vm11 =	vlt.s32 v25, $0x1;
	v27 =	vnsel vm10, $0x1, v27;
	v26 =	vadd.s32 v26, v30  }
0x94: {  	vm12 =	vlt.s32 v24, $0x1;
	v25 =	vnsel vm11, $0x1, v25;
	v26 =	vadd.s32 v27, v26  }
0x95: {  	vm13 =	vlt.s32 v33, $0x1;
	v24 =	vnsel vm12, $0x1, v24;
	v25 =	vadd.s32 v25, v26  }
0x96: {  	vm14 =	vlt.s32 v22, $0x1;
	v24 =	vadd.s32 v24, v25;
	v25 =	vnsel vm13, $0x1, v33  }
0x97: {  	v22 =	vnsel vm14, $0x1, v22;
	vm15 =	vlt.s32 v21, $0x1;
	v24 =	vadd.s32 v25, v24  }
0x98: {  	v21 =	vnsel vm15, $0x1, v21;
	v22 =	vadd.s32 v22, v24  }
0x99: {  	v21 =	vadd.s32 v21, v22  }
0x9a: {  	vm4 =	vgt.s32 v21, $0x1  }
0x9b: {  	v21 =	vnsel vm4, $0x1, v21  }
0x9c: {  	v21 =	vcvt.s32.f32 v21;
	_ =	sdelay $0x1  }
0x9d: {  	v22 =	vadd.s32 v8, v28;
	[tilespmem:s1+$0x0] =	vst v21  }
0x9e: {  	v21 =	vadd.s32 v10, v28;
	v19 =	vld.idx.msk [tilespmem:v19+s2+$0x0], $0xffff  }
0x9f: {  	v24 =	vadd.s32 v12, v28;
	v18 =	vld.idx.msk [tilespmem:v18+s2+$0x0], $0xffff  }
0xa0: {  	v25 =	vadd.s32 v14, v28;
	v20 =	vld.idx.msk [tilespmem:v20+s2+$0x0], $0xffff  }
0xa1: {  	v26 =	vld.idx.msk [tilespmem:v29+s2+$0x0], $0xffff  }
0xa2: {  	v27 =	vadd.s32 v17, v28;
	v22 =	vld.idx.msk [tilespmem:v22+s2+$0x0], $0xffff  }
0xa3: {  	v21 =	vld.idx.msk [tilespmem:v21+s2+$0x0], $0xffff  }
0xa4: {  	v24 =	vld.idx.msk [tilespmem:v24+s2+$0x0], $0xffff;
	vm5 =	vlt.s32 v19, $0x1;
	vm6 =	vlt.s32 v18, $0x1  }
0xa5: {  	v25 =	vld.idx.msk [tilespmem:v25+s2+$0x0], $0xffff;
	vm7 =	vlt.s32 v20, $0x1;
	v19 =	vnsel vm5, $0x1, v19;
	v18 =	vnsel vm6, $0x1, v18  }
0xa6: {  	v23 =	vld.idx.msk [tilespmem:v23+s2+$0x0], $0xffff;
	vm8 =	vlt.s32 v26, $0x1;
	v18 =	vadd.s32 v18, v19;
	v19 =	vnsel vm7, $0x1, v20  }
0xa7: {  	vm9 =	vlt.s32 v22, $0x1;
	v20 =	vld.idx.msk [tilespmem:v27+s2+$0x0], $0xffff;
	v18 =	vadd.s32 v19, v18;
	v19 =	vnsel vm8, $0x1, v26  }
0xa8: {  	v18 =	vadd.s32 v19, v18;
	v19 =	vnsel vm9, $0x1, v22;
	vm10 =	vlt.s32 v21, $0x1  }
0xa9: {  	vm11 =	vlt.s32 v24, $0x1;
	v18 =	vadd.s32 v19, v18;
	v19 =	vnsel vm10, $0x1, v21  }
0xaa: {  	vm12 =	vlt.s32 v25, $0x1;
	v18 =	vadd.s32 v19, v18;
	v19 =	vnsel vm11, $0x1, v24  }
0xab: {  	vm13 =	vlt.s32 v23, $0x1;
	v18 =	vadd.s32 v19, v18;
	v19 =	vnsel vm12, $0x1, v25  }
0xac: {  	vm14 =	vlt.s32 v20, $0x1;
	v18 =	vadd.s32 v19, v18;
	v19 =	vnsel vm13, $0x1, v23  }
0xad: {  	v18 =	vadd.s32 v19, v18;
	v19 =	vnsel vm14, $0x1, v20  }
0xae: {  	v18 =	vadd.s32 v19, v18  }
0xaf: {  	vm15 =	vgt.s32 v18, $0x1  }
0xb0: {  	v18 =	vnsel vm15, $0x1, v18  }
0xb1: {  	v18 =	vcvt.s32.f32 v18  }
0xb2: {  	s0 =	sadd.s32 $0x10, s0;
	s24 =	simm.s32 $0x80  }
0xb3: {  	[tilespmem:s0+$0x0] =	vst v18;
	v18 =	vmov s24  }
0xb4: {  	v18 =	vmul.u32 $0xA, v18  }
0xb5: {  	_ =	swait.ge [sflag:s22], $0xA000  }
0xb6: {  	s21 =	simm.s32 $0x90;
	[sflag:s22] =	ssyncset.done $0x0;
	v21 =	vbroadcast v18, $0x0  }
0xb7: {  	v19 =	vmov s21;
	[sflag:s22] =	ssyncadd.s32 $0xFFFF6000  }
0xb8: {  	v19 =	vmul.u32 $0xA, v19;
	[hbm4b:s6+s2] =	stream.linear.scatter [tilespmem:s18], [sflag:$0x4], $0xA000, $0x38;
	v18 =	vadd.s32 v2, v21;
	[tilespmem:$0x15600] =	vst v63  }
0xb9: {  	_ =	swait.ge [sflag:s23], $0xA000;
	v20 =	vadd.s32 v0, v21  }
0xba: {  	v28 =	vbroadcast v19, $0x0;
	v31 =	vadd.s32 v4, v21;
	[sflag:s23] =	ssyncset.done $0x0  }
0xbb: {  	s24 =	simm.s32 $0x780;
	[sflag:s23] =	ssyncadd.s32 $0xFFFF6000  }
0xbc: {  	v19 =	vadd.s32 v2, v28;
	v26 =	vadd.s32 v6, v21;
	[tilespmem:s18], [sflag:$0x2] =	stream.indirect.gather [hbm4b:s3+s16], $0x40, s24, s16, $0xb8;
	[tilespmem:$0x15600] =	vst v63  }
0xbd: {  	v23 =	vadd.s32 v16, v28;
	v29 =	vadd.s32 v6, v28;
	v27 =	vadd.s32 v8, v21;
	v30 =	vld.idx.msk [tilespmem:v18+s2+$0x0], $0xffff  }
0xbe: {  	v22 =	vadd.s32 v16, v21;
	v25 =	vadd.s32 v10, v21;
	v24 =	vadd.s32 v12, v21;
	v32 =	vld.idx.msk [tilespmem:v20+s2+$0x0], $0xffff  }
0xbf: {  	s1 =	simm.s32 $0x15480;
	s21 =	simm.s32 $0xA0;
	s0 =	simm.s32 $0x15480;
	v33 =	vadd.s32 v14, v21;
	v18 =	vadd.s32 v0, v28;
	v20 =	vadd.s32 v4, v28;
	v31 =	vld.idx.msk [tilespmem:v31+s2+$0x0], $0xffff  }
.LBB2_6:
0xc0: {  	p0 =	sne.s32 s21, $0xB0  }
0xc1: {  	v34 =	vld.idx.msk [tilespmem:v26+s2+$0x0], $0xffff;
	s0 =	sadd.s32 $0x10, s0;
	v26 =	vmov v29;
	s24 =	smov.u32 s21;
	s21 =	sadd.s32 $0x10, s21  }
0xc2: {  	v35 =	vadd.s32 v17, v21;
	v21 =	vmov v28;
	v29 =	vld.idx.msk [tilespmem:v27+s2+$0x0], $0xffff;
	v27 =	vadd.s32 v8, v28  }
0xc3: {  	v28 =	vld.idx.msk [tilespmem:v25+s2+$0x0], $0xffff;
	v25 =	vadd.s32 v10, v21  }
0xc4: {  	vm0 =	vlt.s32 v30, $0x1;
	v36 =	vld.idx.msk [tilespmem:v24+s2+$0x0], $0xffff;
	v24 =	vadd.s32 v12, v21  }
0xc5: {  	vm1 =	vlt.s32 v32, $0x1;
	v30 =	vnsel vm0, $0x1, v30;
	v33 =	vld.idx.msk [tilespmem:v33+s2+$0x0], $0xffff  }
0xc6: {  	v32 =	vnsel vm1, $0x1, v32;
	vm0 =	vlt.s32 v31, $0x1;
	v37 =	vld.idx.msk [tilespmem:v22+s2+$0x0], $0xffff;
	v22 =	vmov v23  }
0xc7: {  	v23 =	vadd.s32 v32, v30;
	v30 =	vnsel vm0, $0x1, v31;
	vm0 =	vlt.s32 v34, $0x1;
	v31 =	vld.idx.msk [tilespmem:v35+s2+$0x0], $0xffff  }
0xc8: {  	v23 =	vadd.s32 v30, v23;
	v30 =	vnsel vm0, $0x1, v34;
	vm0 =	vlt.s32 v29, $0x1  }
0xc9: {  	v23 =	vadd.s32 v30, v23;
	v29 =	vnsel vm0, $0x1, v29;
	vm0 =	vlt.s32 v28, $0x1  }
0xca: {  	v23 =	vadd.s32 v29, v23;
	v28 =	vnsel vm0, $0x1, v28;
	vm0 =	vlt.s32 v36, $0x1  }
0xcb: {  	v23 =	vadd.s32 v28, v23;
	v28 =	vnsel vm0, $0x1, v36;
	vm0 =	vlt.s32 v33, $0x1  }
0xcc: {  	v23 =	vadd.s32 v28, v23;
	v28 =	vnsel vm0, $0x1, v33;
	vm0 =	vlt.s32 v37, $0x1  }
0xcd: {  	v23 =	vadd.s32 v28, v23;
	v28 =	vnsel vm0, $0x1, v37;
	vm0 =	vlt.s32 v31, $0x1  }
0xce: {  	v23 =	vadd.s32 v28, v23;
	v28 =	vnsel vm0, $0x1, v31  }
0xcf: {  	v23 =	vadd.s32 v28, v23  }
0xd0: {  	v28 =	vmov s24;
	vm0 =	vgt.s32 v23, $0x1  }
0xd1: {  	v28 =	vmul.u32 $0xA, v28;
	v23 =	vnsel vm0, $0x1, v23  }
0xd2: {  	v23 =	vcvt.s32.f32 v23  }
.Ltmp2:
0xd3: {  	v28 =	vbroadcast v28, $0x0;
	(pc) =	sbr.rel @p0 .LBB2_6-.Ltmp2, $4  }
0xd4: {  	[tilespmem:s1+$0x0] =	vst v23;
	s1 =	smov.u32 s0  }
0xd5: {  	v31 =	vadd.s32 v0, v28;
	v23 =	vadd.s32 v16, v28;
	v30 =	vld.idx.msk [tilespmem:v19+s2+$0x0], $0xffff;
	v19 =	vadd.s32 v2, v28  }
0xd6: {  	v34 =	vadd.s32 v4, v28;
	v29 =	vadd.s32 v6, v28;
	v32 =	vld.idx.msk [tilespmem:v18+s2+$0x0], $0xffff;
	v18 =	vmov v31  }
0xd7: {  	v33 =	vadd.s32 v14, v21;
	v31 =	vld.idx.msk [tilespmem:v20+s2+$0x0], $0xffff;
	v20 =	vmov v34  }
0xd8: {  	_ =	sdelay $0x3  }
0xd9: {  	v26 =	vld.idx.msk [tilespmem:v26+s2+$0x0], $0xffff  }
0xda: {  	v27 =	vld.idx.msk [tilespmem:v27+s2+$0x0], $0xffff;
	v21 =	vadd.s32 v17, v21  }
0xdb: {  	v25 =	vld.idx.msk [tilespmem:v25+s2+$0x0], $0xffff  }
0xdc: {  	v24 =	vld.idx.msk [tilespmem:v24+s2+$0x0], $0xffff;
	vm0 =	vlt.s32 v30, $0x1;
	vm1 =	vlt.s32 v32, $0x1  }
0xdd: {  	v33 =	vld.idx.msk [tilespmem:v33+s2+$0x0], $0xffff;
	v30 =	vnsel vm0, $0x1, v30;
	v32 =	vnsel vm1, $0x1, v32;
	vm8 =	vlt.s32 v31, $0x1  }
0xde: {  	v22 =	vld.idx.msk [tilespmem:v22+s2+$0x0], $0xffff;
	v30 =	vadd.s32 v32, v30;
	v31 =	vnsel vm8, $0x1, v31;
	vm9 =	vlt.s32 v26, $0x1  }
0xdf: {  	v21 =	vld.idx.msk [tilespmem:v21+s2+$0x0], $0xffff;
	vm10 =	vlt.s32 v27, $0x1;
	v30 =	vadd.s32 v31, v30;
	v26 =	vnsel vm9, $0x1, v26  }
0xe0: {  	vm11 =	vlt.s32 v25, $0x1;
	v27 =	vnsel vm10, $0x1, v27;
	v26 =	vadd.s32 v26, v30  }
0xe1: {  	vm12 =	vlt.s32 v24, $0x1;
	v25 =	vnsel vm11, $0x1, v25;
	v26 =	vadd.s32 v27, v26  }
0xe2: {  	vm13 =	vlt.s32 v33, $0x1;
	v24 =	vnsel vm12, $0x1, v24;
	v25 =	vadd.s32 v25, v26  }
0xe3: {  	vm14 =	vlt.s32 v22, $0x1;
	v24 =	vadd.s32 v24, v25;
	v25 =	vnsel vm13, $0x1, v33  }
0xe4: {  	v22 =	vnsel vm14, $0x1, v22;
	vm15 =	vlt.s32 v21, $0x1;
	v24 =	vadd.s32 v25, v24  }
0xe5: {  	v21 =	vnsel vm15, $0x1, v21;
	v22 =	vadd.s32 v22, v24  }
0xe6: {  	v21 =	vadd.s32 v21, v22  }
0xe7: {  	vm4 =	vgt.s32 v21, $0x1  }
0xe8: {  	v21 =	vnsel vm4, $0x1, v21  }
0xe9: {  	v21 =	vcvt.s32.f32 v21;
	_ =	sdelay $0x1  }
0xea: {  	v22 =	vadd.s32 v8, v28;
	[tilespmem:s1+$0x0] =	vst v21  }
0xeb: {  	v21 =	vadd.s32 v10, v28;
	v19 =	vld.idx.msk [tilespmem:v19+s2+$0x0], $0xffff  }
0xec: {  	v24 =	vadd.s32 v12, v28;
	v18 =	vld.idx.msk [tilespmem:v18+s2+$0x0], $0xffff  }
0xed: {  	v25 =	vadd.s32 v14, v28;
	v20 =	vld.idx.msk [tilespmem:v20+s2+$0x0], $0xffff  }
0xee: {  	v26 =	vld.idx.msk [tilespmem:v29+s2+$0x0], $0xffff  }
0xef: {  	v27 =	vadd.s32 v17, v28;
	v22 =	vld.idx.msk [tilespmem:v22+s2+$0x0], $0xffff  }
0xf0: {  	v21 =	vld.idx.msk [tilespmem:v21+s2+$0x0], $0xffff  }
0xf1: {  	v24 =	vld.idx.msk [tilespmem:v24+s2+$0x0], $0xffff;
	vm5 =	vlt.s32 v19, $0x1;
	vm6 =	vlt.s32 v18, $0x1  }
0xf2: {  	v25 =	vld.idx.msk [tilespmem:v25+s2+$0x0], $0xffff;
	vm7 =	vlt.s32 v20, $0x1;
	v19 =	vnsel vm5, $0x1, v19;
	v18 =	vnsel vm6, $0x1, v18  }
0xf3: {  	v23 =	vld.idx.msk [tilespmem:v23+s2+$0x0], $0xffff;
	vm8 =	vlt.s32 v26, $0x1;
	v18 =	vadd.s32 v18, v19;
	v19 =	vnsel vm7, $0x1, v20  }
0xf4: {  	vm9 =	vlt.s32 v22, $0x1;
	v20 =	vld.idx.msk [tilespmem:v27+s2+$0x0], $0xffff;
	v18 =	vadd.s32 v19, v18;
	v19 =	vnsel vm8, $0x1, v26  }
0xf5: {  	v18 =	vadd.s32 v19, v18;
	v19 =	vnsel vm9, $0x1, v22;
	vm10 =	vlt.s32 v21, $0x1  }
0xf6: {  	vm11 =	vlt.s32 v24, $0x1;
	v18 =	vadd.s32 v19, v18;
	v19 =	vnsel vm10, $0x1, v21  }
0xf7: {  	vm12 =	vlt.s32 v25, $0x1;
	v18 =	vadd.s32 v19, v18;
	v19 =	vnsel vm11, $0x1, v24  }
0xf8: {  	vm13 =	vlt.s32 v23, $0x1;
	v18 =	vadd.s32 v19, v18;
	v19 =	vnsel vm12, $0x1, v25  }
0xf9: {  	vm14 =	vlt.s32 v20, $0x1;
	v18 =	vadd.s32 v19, v18;
	v19 =	vnsel vm13, $0x1, v23  }
0xfa: {  	v18 =	vadd.s32 v19, v18;
	v19 =	vnsel vm14, $0x1, v20  }
0xfb: {  	v18 =	vadd.s32 v19, v18  }
0xfc: {  	vm15 =	vgt.s32 v18, $0x1  }
0xfd: {  	v18 =	vnsel vm15, $0x1, v18  }
0xfe: {  	v18 =	vcvt.s32.f32 v18  }
0xff: {  	s0 =	sadd.s32 $0x10, s0;
	s21 =	simm.s32 $0xC0  }
0x100: {  	[tilespmem:s0+$0x0] =	vst v18;
	v18 =	vmov s21  }
0x101: {  	v18 =	vmul.u32 $0xA, v18  }
0x102: {  	_ =	swait.ge [sflag:s19], $0xA000  }
0x103: {  	s24 =	simm.s32 $0xD0;
	[sflag:s19] =	ssyncset.done $0x0;
	v21 =	vbroadcast v18, $0x0  }
0x104: {  	v19 =	vmov s24;
	[sflag:s19] =	ssyncadd.s32 $0xFFFF6000  }
0x105: {  	v19 =	vmul.u32 $0xA, v19;
	[hbm4b:s7+s2] =	stream.linear.scatter [tilespmem:s17], [sflag:$0x3], $0xA000, $0x38;
	v18 =	vadd.s32 v2, v21;
	[tilespmem:$0x15600] =	vst v63  }
0x106: {  	_ =	swait.ge [sflag:s20], $0xA000;
	v20 =	vadd.s32 v0, v21  }
0x107: {  	v28 =	vbroadcast v19, $0x0;
	v31 =	vadd.s32 v4, v21;
	[sflag:s20] =	ssyncset.done $0x0  }
0x108: {  	[sflag:s20] =	ssyncadd.s32 $0xFFFF6000  }
0x109: {  	v19 =	vadd.s32 v2, v28;
	v26 =	vadd.s32 v6, v21;
	[tilespmem:s17], [sflag:$0x1] =	stream.indirect.gather [hbm4b:s3+s16], $0x40, s25, s16, $0xb8;
	[tilespmem:$0x15600] =	vst v63  }
0x10a: {  	v23 =	vadd.s32 v16, v28;
	v29 =	vadd.s32 v6, v28;
	v27 =	vadd.s32 v8, v21;
	v30 =	vld.idx.msk [tilespmem:v18+s2+$0x0], $0xffff  }
0x10b: {  	v22 =	vadd.s32 v16, v21;
	v25 =	vadd.s32 v10, v21;
	v24 =	vadd.s32 v12, v21;
	v32 =	vld.idx.msk [tilespmem:v20+s2+$0x0], $0xffff  }
0x10c: {  	s1 =	simm.s32 $0x154C0;
	s0 =	simm.s32 $0x154C0;
	s21 =	simm.s32 $0xE0;
	v33 =	vadd.s32 v14, v21;
	v18 =	vadd.s32 v0, v28;
	v20 =	vadd.s32 v4, v28;
	v31 =	vld.idx.msk [tilespmem:v31+s2+$0x0], $0xffff  }
.LBB2_8:
0x10d: {  	p0 =	sne.s32 s21, $0xF0  }
0x10e: {  	v34 =	vld.idx.msk [tilespmem:v26+s2+$0x0], $0xffff;
	s0 =	sadd.s32 $0x10, s0;
	v26 =	vmov v29;
	s24 =	smov.u32 s21;
	s21 =	sadd.s32 $0x10, s21  }
0x10f: {  	v35 =	vadd.s32 v17, v21;
	v21 =	vmov v28;
	v29 =	vld.idx.msk [tilespmem:v27+s2+$0x0], $0xffff;
	v27 =	vadd.s32 v8, v28  }
0x110: {  	v28 =	vld.idx.msk [tilespmem:v25+s2+$0x0], $0xffff;
	v25 =	vadd.s32 v10, v21  }
0x111: {  	vm0 =	vlt.s32 v30, $0x1;
	v36 =	vld.idx.msk [tilespmem:v24+s2+$0x0], $0xffff;
	v24 =	vadd.s32 v12, v21  }
0x112: {  	vm1 =	vlt.s32 v32, $0x1;
	v30 =	vnsel vm0, $0x1, v30;
	v33 =	vld.idx.msk [tilespmem:v33+s2+$0x0], $0xffff  }
0x113: {  	v32 =	vnsel vm1, $0x1, v32;
	vm0 =	vlt.s32 v31, $0x1;
	v37 =	vld.idx.msk [tilespmem:v22+s2+$0x0], $0xffff;
	v22 =	vmov v23  }
0x114: {  	v23 =	vadd.s32 v32, v30;
	v30 =	vnsel vm0, $0x1, v31;
	vm0 =	vlt.s32 v34, $0x1;
	v31 =	vld.idx.msk [tilespmem:v35+s2+$0x0], $0xffff  }
0x115: {  	v23 =	vadd.s32 v30, v23;
	v30 =	vnsel vm0, $0x1, v34;
	vm0 =	vlt.s32 v29, $0x1  }
0x116: {  	v23 =	vadd.s32 v30, v23;
	v29 =	vnsel vm0, $0x1, v29;
	vm0 =	vlt.s32 v28, $0x1  }
0x117: {  	v23 =	vadd.s32 v29, v23;
	v28 =	vnsel vm0, $0x1, v28;
	vm0 =	vlt.s32 v36, $0x1  }
0x118: {  	v23 =	vadd.s32 v28, v23;
	v28 =	vnsel vm0, $0x1, v36;
	vm0 =	vlt.s32 v33, $0x1  }
0x119: {  	v23 =	vadd.s32 v28, v23;
	v28 =	vnsel vm0, $0x1, v33;
	vm0 =	vlt.s32 v37, $0x1  }
0x11a: {  	v23 =	vadd.s32 v28, v23;
	v28 =	vnsel vm0, $0x1, v37;
	vm0 =	vlt.s32 v31, $0x1  }
0x11b: {  	v23 =	vadd.s32 v28, v23;
	v28 =	vnsel vm0, $0x1, v31  }
0x11c: {  	v23 =	vadd.s32 v28, v23  }
0x11d: {  	v28 =	vmov s24;
	vm0 =	vgt.s32 v23, $0x1  }
0x11e: {  	v28 =	vmul.u32 $0xA, v28;
	v23 =	vnsel vm0, $0x1, v23  }
0x11f: {  	v23 =	vcvt.s32.f32 v23  }
.Ltmp3:
0x120: {  	v28 =	vbroadcast v28, $0x0;
	(pc) =	sbr.rel @p0 .LBB2_8-.Ltmp3, $4  }
0x121: {  	[tilespmem:s1+$0x0] =	vst v23;
	s1 =	smov.u32 s0  }
0x122: {  	v31 =	vadd.s32 v0, v28;
	v23 =	vadd.s32 v16, v28;
	v30 =	vld.idx.msk [tilespmem:v19+s2+$0x0], $0xffff;
	v19 =	vadd.s32 v2, v28  }
0x123: {  	v34 =	vadd.s32 v4, v28;
	v29 =	vadd.s32 v6, v28;
	v32 =	vld.idx.msk [tilespmem:v18+s2+$0x0], $0xffff;
	v18 =	vmov v31  }
0x124: {  	v33 =	vadd.s32 v14, v21;
	v31 =	vld.idx.msk [tilespmem:v20+s2+$0x0], $0xffff;
	v20 =	vmov v34  }
0x125: {  	_ =	sdelay $0x3  }
0x126: {  	v26 =	vld.idx.msk [tilespmem:v26+s2+$0x0], $0xffff  }
0x127: {  	v27 =	vld.idx.msk [tilespmem:v27+s2+$0x0], $0xffff;
	v21 =	vadd.s32 v17, v21  }
0x128: {  	v25 =	vld.idx.msk [tilespmem:v25+s2+$0x0], $0xffff  }
0x129: {  	v24 =	vld.idx.msk [tilespmem:v24+s2+$0x0], $0xffff;
	vm0 =	vlt.s32 v30, $0x1;
	vm1 =	vlt.s32 v32, $0x1  }
0x12a: {  	v33 =	vld.idx.msk [tilespmem:v33+s2+$0x0], $0xffff;
	v30 =	vnsel vm0, $0x1, v30;
	v32 =	vnsel vm1, $0x1, v32;
	vm8 =	vlt.s32 v31, $0x1  }
0x12b: {  	v22 =	vld.idx.msk [tilespmem:v22+s2+$0x0], $0xffff;
	v30 =	vadd.s32 v32, v30;
	v31 =	vnsel vm8, $0x1, v31;
	vm9 =	vlt.s32 v26, $0x1  }
0x12c: {  	v21 =	vld.idx.msk [tilespmem:v21+s2+$0x0], $0xffff;
	vm10 =	vlt.s32 v27, $0x1;
	v30 =	vadd.s32 v31, v30;
	v26 =	vnsel vm9, $0x1, v26  }
0x12d: {  	vm11 =	vlt.s32 v25, $0x1;
	v27 =	vnsel vm10, $0x1, v27;
	v26 =	vadd.s32 v26, v30  }
0x12e: {  	vm12 =	vlt.s32 v24, $0x1;
	v25 =	vnsel vm11, $0x1, v25;
	v26 =	vadd.s32 v27, v26  }
0x12f: {  	vm13 =	vlt.s32 v33, $0x1;
	v24 =	vnsel vm12, $0x1, v24;
	v25 =	vadd.s32 v25, v26  }
0x130: {  	vm14 =	vlt.s32 v22, $0x1;
	v24 =	vadd.s32 v24, v25;
	v25 =	vnsel vm13, $0x1, v33  }
0x131: {  	v22 =	vnsel vm14, $0x1, v22;
	vm15 =	vlt.s32 v21, $0x1;
	v24 =	vadd.s32 v25, v24  }
0x132: {  	v21 =	vnsel vm15, $0x1, v21;
	v22 =	vadd.s32 v22, v24  }
0x133: {  	v21 =	vadd.s32 v21, v22  }
0x134: {  	vm4 =	vgt.s32 v21, $0x1  }
0x135: {  	v21 =	vnsel vm4, $0x1, v21  }
0x136: {  	v21 =	vcvt.s32.f32 v21;
	_ =	sdelay $0x1  }
0x137: {  	v22 =	vadd.s32 v8, v28;
	[tilespmem:s1+$0x0] =	vst v21  }
0x138: {  	v21 =	vadd.s32 v10, v28;
	v19 =	vld.idx.msk [tilespmem:v19+s2+$0x0], $0xffff  }
0x139: {  	v24 =	vadd.s32 v12, v28;
	v18 =	vld.idx.msk [tilespmem:v18+s2+$0x0], $0xffff  }
0x13a: {  	v25 =	vadd.s32 v14, v28;
	v20 =	vld.idx.msk [tilespmem:v20+s2+$0x0], $0xffff  }
0x13b: {  	v26 =	vld.idx.msk [tilespmem:v29+s2+$0x0], $0xffff  }
0x13c: {  	v27 =	vadd.s32 v17, v28;
	v22 =	vld.idx.msk [tilespmem:v22+s2+$0x0], $0xffff  }
0x13d: {  	v21 =	vld.idx.msk [tilespmem:v21+s2+$0x0], $0xffff  }
0x13e: {  	v24 =	vld.idx.msk [tilespmem:v24+s2+$0x0], $0xffff;
	vm5 =	vlt.s32 v19, $0x1;
	vm6 =	vlt.s32 v18, $0x1  }
0x13f: {  	v25 =	vld.idx.msk [tilespmem:v25+s2+$0x0], $0xffff;
	vm7 =	vlt.s32 v20, $0x1;
	v19 =	vnsel vm5, $0x1, v19;
	v18 =	vnsel vm6, $0x1, v18  }
0x140: {  	v23 =	vld.idx.msk [tilespmem:v23+s2+$0x0], $0xffff;
	vm8 =	vlt.s32 v26, $0x1;
	v18 =	vadd.s32 v18, v19;
	v19 =	vnsel vm7, $0x1, v20  }
0x141: {  	vm9 =	vlt.s32 v22, $0x1;
	v20 =	vld.idx.msk [tilespmem:v27+s2+$0x0], $0xffff;
	v18 =	vadd.s32 v19, v18;
	v19 =	vnsel vm8, $0x1, v26  }
0x142: {  	v18 =	vadd.s32 v19, v18;
	v19 =	vnsel vm9, $0x1, v22;
	vm10 =	vlt.s32 v21, $0x1  }
0x143: {  	vm11 =	vlt.s32 v24, $0x1;
	v18 =	vadd.s32 v19, v18;
	v19 =	vnsel vm10, $0x1, v21  }
0x144: {  	vm12 =	vlt.s32 v25, $0x1;
	v18 =	vadd.s32 v19, v18;
	v19 =	vnsel vm11, $0x1, v24  }
0x145: {  	vm13 =	vlt.s32 v23, $0x1;
	v18 =	vadd.s32 v19, v18;
	v19 =	vnsel vm12, $0x1, v25  }
0x146: {  	vm14 =	vlt.s32 v20, $0x1;
	v18 =	vadd.s32 v19, v18;
	v19 =	vnsel vm13, $0x1, v23  }
0x147: {  	v18 =	vadd.s32 v19, v18;
	v19 =	vnsel vm14, $0x1, v20  }
0x148: {  	v18 =	vadd.s32 v19, v18  }
0x149: {  	vm15 =	vgt.s32 v18, $0x1  }
0x14a: {  	v18 =	vnsel vm15, $0x1, v18  }
0x14b: {  	v18 =	vcvt.s32.f32 v18  }
0x14c: {  	s0 =	sadd.s32 $0x10, s0;
	s21 =	simm.s32 $0x100  }
0x14d: {  	[tilespmem:s0+$0x0] =	vst v18;
	v18 =	vmov s21  }
0x14e: {  	v18 =	vmul.u32 $0xA, v18  }
0x14f: {  	_ =	swait.ge [sflag:s22], $0xA000  }
0x150: {  	s24 =	simm.s32 $0x110;
	[sflag:s22] =	ssyncset.done $0x0;
	v21 =	vbroadcast v18, $0x0  }
0x151: {  	v19 =	vmov s24;
	[sflag:s22] =	ssyncadd.s32 $0xFFFF6000  }
0x152: {  	v19 =	vmul.u32 $0xA, v19;
	[hbm4b:s8+s2] =	stream.linear.scatter [tilespmem:s18], [sflag:$0x4], $0xA000, $0x38;
	v18 =	vadd.s32 v2, v21;
	[tilespmem:$0x15600] =	vst v63  }
0x153: {  	_ =	swait.ge [sflag:s23], $0xA000;
	v20 =	vadd.s32 v0, v21  }
0x154: {  	v28 =	vbroadcast v19, $0x0;
	v31 =	vadd.s32 v4, v21;
	[sflag:s23] =	ssyncset.done $0x0  }
0x155: {  	[sflag:s23] =	ssyncadd.s32 $0xFFFF6000  }
0x156: {  	v19 =	vadd.s32 v2, v28;
	v26 =	vadd.s32 v6, v21;
	[tilespmem:s18], [sflag:$0x2] =	stream.indirect.gather [hbm4b:s3+s16], $0x40, s26, s16, $0xb8;
	[tilespmem:$0x15600] =	vst v63  }
0x157: {  	v23 =	vadd.s32 v16, v28;
	v29 =	vadd.s32 v6, v28;
	v27 =	vadd.s32 v8, v21;
	v30 =	vld.idx.msk [tilespmem:v18+s2+$0x0], $0xffff  }
0x158: {  	v22 =	vadd.s32 v16, v21;
	v25 =	vadd.s32 v10, v21;
	v24 =	vadd.s32 v12, v21;
	v32 =	vld.idx.msk [tilespmem:v20+s2+$0x0], $0xffff  }
0x159: {  	s1 =	simm.s32 $0x15500;
	s0 =	simm.s32 $0x15500;
	s21 =	simm.s32 $0x120;
	v33 =	vadd.s32 v14, v21;
	v18 =	vadd.s32 v0, v28;
	v20 =	vadd.s32 v4, v28;
	v31 =	vld.idx.msk [tilespmem:v31+s2+$0x0], $0xffff  }
.LBB2_10:
0x15a: {  	p0 =	sne.s32 s21, $0x130  }
0x15b: {  	v34 =	vld.idx.msk [tilespmem:v26+s2+$0x0], $0xffff;
	s0 =	sadd.s32 $0x10, s0;
	v26 =	vmov v29;
	s24 =	smov.u32 s21;
	s21 =	sadd.s32 $0x10, s21  }
0x15c: {  	v35 =	vadd.s32 v17, v21;
	v21 =	vmov v28;
	v29 =	vld.idx.msk [tilespmem:v27+s2+$0x0], $0xffff;
	v27 =	vadd.s32 v8, v28  }
0x15d: {  	v28 =	vld.idx.msk [tilespmem:v25+s2+$0x0], $0xffff;
	v25 =	vadd.s32 v10, v21  }
0x15e: {  	vm0 =	vlt.s32 v30, $0x1;
	v36 =	vld.idx.msk [tilespmem:v24+s2+$0x0], $0xffff;
	v24 =	vadd.s32 v12, v21  }
0x15f: {  	vm1 =	vlt.s32 v32, $0x1;
	v30 =	vnsel vm0, $0x1, v30;
	v33 =	vld.idx.msk [tilespmem:v33+s2+$0x0], $0xffff  }
0x160: {  	v32 =	vnsel vm1, $0x1, v32;
	vm0 =	vlt.s32 v31, $0x1;
	v37 =	vld.idx.msk [tilespmem:v22+s2+$0x0], $0xffff;
	v22 =	vmov v23  }
0x161: {  	v23 =	vadd.s32 v32, v30;
	v30 =	vnsel vm0, $0x1, v31;
	vm0 =	vlt.s32 v34, $0x1;
	v31 =	vld.idx.msk [tilespmem:v35+s2+$0x0], $0xffff  }
0x162: {  	v23 =	vadd.s32 v30, v23;
	v30 =	vnsel vm0, $0x1, v34;
	vm0 =	vlt.s32 v29, $0x1  }
0x163: {  	v23 =	vadd.s32 v30, v23;
	v29 =	vnsel vm0, $0x1, v29;
	vm0 =	vlt.s32 v28, $0x1  }
0x164: {  	v23 =	vadd.s32 v29, v23;
	v28 =	vnsel vm0, $0x1, v28;
	vm0 =	vlt.s32 v36, $0x1  }
0x165: {  	v23 =	vadd.s32 v28, v23;
	v28 =	vnsel vm0, $0x1, v36;
	vm0 =	vlt.s32 v33, $0x1  }
0x166: {  	v23 =	vadd.s32 v28, v23;
	v28 =	vnsel vm0, $0x1, v33;
	vm0 =	vlt.s32 v37, $0x1  }
0x167: {  	v23 =	vadd.s32 v28, v23;
	v28 =	vnsel vm0, $0x1, v37;
	vm0 =	vlt.s32 v31, $0x1  }
0x168: {  	v23 =	vadd.s32 v28, v23;
	v28 =	vnsel vm0, $0x1, v31  }
0x169: {  	v23 =	vadd.s32 v28, v23  }
0x16a: {  	v28 =	vmov s24;
	vm0 =	vgt.s32 v23, $0x1  }
0x16b: {  	v28 =	vmul.u32 $0xA, v28;
	v23 =	vnsel vm0, $0x1, v23  }
0x16c: {  	v23 =	vcvt.s32.f32 v23  }
.Ltmp4:
0x16d: {  	v28 =	vbroadcast v28, $0x0;
	(pc) =	sbr.rel @p0 .LBB2_10-.Ltmp4, $4  }
0x16e: {  	[tilespmem:s1+$0x0] =	vst v23;
	s1 =	smov.u32 s0  }
0x16f: {  	v31 =	vadd.s32 v0, v28;
	v23 =	vadd.s32 v16, v28;
	v30 =	vld.idx.msk [tilespmem:v19+s2+$0x0], $0xffff;
	v19 =	vadd.s32 v2, v28  }
0x170: {  	v34 =	vadd.s32 v4, v28;
	v29 =	vadd.s32 v6, v28;
	v32 =	vld.idx.msk [tilespmem:v18+s2+$0x0], $0xffff;
	v18 =	vmov v31  }
0x171: {  	v33 =	vadd.s32 v14, v21;
	v31 =	vld.idx.msk [tilespmem:v20+s2+$0x0], $0xffff;
	v20 =	vmov v34  }
0x172: {  	_ =	sdelay $0x3  }
0x173: {  	v26 =	vld.idx.msk [tilespmem:v26+s2+$0x0], $0xffff  }
0x174: {  	v27 =	vld.idx.msk [tilespmem:v27+s2+$0x0], $0xffff;
	v21 =	vadd.s32 v17, v21  }
0x175: {  	v25 =	vld.idx.msk [tilespmem:v25+s2+$0x0], $0xffff  }
0x176: {  	v24 =	vld.idx.msk [tilespmem:v24+s2+$0x0], $0xffff;
	vm0 =	vlt.s32 v30, $0x1;
	vm1 =	vlt.s32 v32, $0x1  }
0x177: {  	v33 =	vld.idx.msk [tilespmem:v33+s2+$0x0], $0xffff;
	v30 =	vnsel vm0, $0x1, v30;
	v32 =	vnsel vm1, $0x1, v32;
	vm8 =	vlt.s32 v31, $0x1  }
0x178: {  	v22 =	vld.idx.msk [tilespmem:v22+s2+$0x0], $0xffff;
	v30 =	vadd.s32 v32, v30;
	v31 =	vnsel vm8, $0x1, v31;
	vm9 =	vlt.s32 v26, $0x1  }
0x179: {  	v21 =	vld.idx.msk [tilespmem:v21+s2+$0x0], $0xffff;
	vm10 =	vlt.s32 v27, $0x1;
	v30 =	vadd.s32 v31, v30;
	v26 =	vnsel vm9, $0x1, v26  }
0x17a: {  	vm11 =	vlt.s32 v25, $0x1;
	v27 =	vnsel vm10, $0x1, v27;
	v26 =	vadd.s32 v26, v30  }
0x17b: {  	vm12 =	vlt.s32 v24, $0x1;
	v25 =	vnsel vm11, $0x1, v25;
	v26 =	vadd.s32 v27, v26  }
0x17c: {  	vm13 =	vlt.s32 v33, $0x1;
	v24 =	vnsel vm12, $0x1, v24;
	v25 =	vadd.s32 v25, v26  }
0x17d: {  	vm14 =	vlt.s32 v22, $0x1;
	v24 =	vadd.s32 v24, v25;
	v25 =	vnsel vm13, $0x1, v33  }
0x17e: {  	v22 =	vnsel vm14, $0x1, v22;
	vm15 =	vlt.s32 v21, $0x1;
	v24 =	vadd.s32 v25, v24  }
0x17f: {  	v21 =	vnsel vm15, $0x1, v21;
	v22 =	vadd.s32 v22, v24  }
0x180: {  	v21 =	vadd.s32 v21, v22  }
0x181: {  	vm4 =	vgt.s32 v21, $0x1  }
0x182: {  	v21 =	vnsel vm4, $0x1, v21  }
0x183: {  	v21 =	vcvt.s32.f32 v21;
	_ =	sdelay $0x1  }
0x184: {  	v22 =	vadd.s32 v8, v28;
	[tilespmem:s1+$0x0] =	vst v21  }
0x185: {  	v21 =	vadd.s32 v10, v28;
	v19 =	vld.idx.msk [tilespmem:v19+s2+$0x0], $0xffff  }
0x186: {  	v24 =	vadd.s32 v12, v28;
	v18 =	vld.idx.msk [tilespmem:v18+s2+$0x0], $0xffff  }
0x187: {  	v25 =	vadd.s32 v14, v28;
	v20 =	vld.idx.msk [tilespmem:v20+s2+$0x0], $0xffff  }
0x188: {  	v26 =	vld.idx.msk [tilespmem:v29+s2+$0x0], $0xffff  }
0x189: {  	v27 =	vadd.s32 v17, v28;
	v22 =	vld.idx.msk [tilespmem:v22+s2+$0x0], $0xffff  }
0x18a: {  	v21 =	vld.idx.msk [tilespmem:v21+s2+$0x0], $0xffff  }
0x18b: {  	v24 =	vld.idx.msk [tilespmem:v24+s2+$0x0], $0xffff;
	vm5 =	vlt.s32 v19, $0x1;
	vm6 =	vlt.s32 v18, $0x1  }
0x18c: {  	v25 =	vld.idx.msk [tilespmem:v25+s2+$0x0], $0xffff;
	vm7 =	vlt.s32 v20, $0x1;
	v19 =	vnsel vm5, $0x1, v19;
	v18 =	vnsel vm6, $0x1, v18  }
0x18d: {  	v23 =	vld.idx.msk [tilespmem:v23+s2+$0x0], $0xffff;
	vm8 =	vlt.s32 v26, $0x1;
	v18 =	vadd.s32 v18, v19;
	v19 =	vnsel vm7, $0x1, v20  }
0x18e: {  	vm9 =	vlt.s32 v22, $0x1;
	v20 =	vld.idx.msk [tilespmem:v27+s2+$0x0], $0xffff;
	v18 =	vadd.s32 v19, v18;
	v19 =	vnsel vm8, $0x1, v26  }
0x18f: {  	v18 =	vadd.s32 v19, v18;
	v19 =	vnsel vm9, $0x1, v22;
	vm10 =	vlt.s32 v21, $0x1  }
0x190: {  	vm11 =	vlt.s32 v24, $0x1;
	v18 =	vadd.s32 v19, v18;
	v19 =	vnsel vm10, $0x1, v21  }
0x191: {  	vm12 =	vlt.s32 v25, $0x1;
	v18 =	vadd.s32 v19, v18;
	v19 =	vnsel vm11, $0x1, v24  }
0x192: {  	vm13 =	vlt.s32 v23, $0x1;
	v18 =	vadd.s32 v19, v18;
	v19 =	vnsel vm12, $0x1, v25  }
0x193: {  	vm14 =	vlt.s32 v20, $0x1;
	v18 =	vadd.s32 v19, v18;
	v19 =	vnsel vm13, $0x1, v23  }
0x194: {  	v18 =	vadd.s32 v19, v18;
	v19 =	vnsel vm14, $0x1, v20  }
0x195: {  	v18 =	vadd.s32 v19, v18  }
0x196: {  	vm15 =	vgt.s32 v18, $0x1  }
0x197: {  	v18 =	vnsel vm15, $0x1, v18  }
0x198: {  	v18 =	vcvt.s32.f32 v18  }
0x199: {  	s0 =	sadd.s32 $0x10, s0;
	s21 =	simm.s32 $0x140  }
0x19a: {  	[tilespmem:s0+$0x0] =	vst v18;
	v18 =	vmov s21  }
0x19b: {  	v18 =	vmul.u32 $0xA, v18  }
0x19c: {  	_ =	swait.ge [sflag:s19], $0xA000  }
0x19d: {  	s24 =	simm.s32 $0x150;
	[sflag:s19] =	ssyncset.done $0x0;
	v21 =	vbroadcast v18, $0x0  }
0x19e: {  	v19 =	vmov s24;
	[sflag:s19] =	ssyncadd.s32 $0xFFFF6000  }
0x19f: {  	v19 =	vmul.u32 $0xA, v19;
	[hbm4b:s9+s2] =	stream.linear.scatter [tilespmem:s17], [sflag:$0x3], $0xA000, $0x38;
	v18 =	vadd.s32 v2, v21;
	[tilespmem:$0x15600] =	vst v63  }
0x1a0: {  	_ =	swait.ge [sflag:s20], $0xA000;
	v20 =	vadd.s32 v0, v21  }
0x1a1: {  	v28 =	vbroadcast v19, $0x0;
	v31 =	vadd.s32 v4, v21;
	[sflag:s20] =	ssyncset.done $0x0  }
0x1a2: {  	[sflag:s20] =	ssyncadd.s32 $0xFFFF6000  }
0x1a3: {  	v19 =	vadd.s32 v2, v28;
	v26 =	vadd.s32 v6, v21;
	[tilespmem:s17], [sflag:$0x1] =	stream.indirect.gather [hbm4b:s3+s16], $0x40, s28, s16, $0xb8;
	[tilespmem:$0x15600] =	vst v63  }
0x1a4: {  	v23 =	vadd.s32 v16, v28;
	v29 =	vadd.s32 v6, v28;
	v27 =	vadd.s32 v8, v21;
	v30 =	vld.idx.msk [tilespmem:v18+s2+$0x0], $0xffff  }
0x1a5: {  	v22 =	vadd.s32 v16, v21;
	v25 =	vadd.s32 v10, v21;
	v24 =	vadd.s32 v12, v21;
	v32 =	vld.idx.msk [tilespmem:v20+s2+$0x0], $0xffff  }
0x1a6: {  	s1 =	simm.s32 $0x15540;
	s0 =	simm.s32 $0x15540;
	s21 =	simm.s32 $0x160;
	v33 =	vadd.s32 v14, v21;
	v18 =	vadd.s32 v0, v28;
	v20 =	vadd.s32 v4, v28;
	v31 =	vld.idx.msk [tilespmem:v31+s2+$0x0], $0xffff  }
.LBB2_12:
0x1a7: {  	p0 =	sne.s32 s21, $0x170  }
0x1a8: {  	v34 =	vld.idx.msk [tilespmem:v26+s2+$0x0], $0xffff;
	s0 =	sadd.s32 $0x10, s0;
	v26 =	vmov v29;
	s24 =	smov.u32 s21;
	s21 =	sadd.s32 $0x10, s21  }
0x1a9: {  	v35 =	vadd.s32 v17, v21;
	v21 =	vmov v28;
	v29 =	vld.idx.msk [tilespmem:v27+s2+$0x0], $0xffff;
	v27 =	vadd.s32 v8, v28  }
0x1aa: {  	v28 =	vld.idx.msk [tilespmem:v25+s2+$0x0], $0xffff;
	v25 =	vadd.s32 v10, v21  }
0x1ab: {  	vm0 =	vlt.s32 v30, $0x1;
	v36 =	vld.idx.msk [tilespmem:v24+s2+$0x0], $0xffff;
	v24 =	vadd.s32 v12, v21  }
0x1ac: {  	vm1 =	vlt.s32 v32, $0x1;
	v30 =	vnsel vm0, $0x1, v30;
	v33 =	vld.idx.msk [tilespmem:v33+s2+$0x0], $0xffff  }
0x1ad: {  	v32 =	vnsel vm1, $0x1, v32;
	vm0 =	vlt.s32 v31, $0x1;
	v37 =	vld.idx.msk [tilespmem:v22+s2+$0x0], $0xffff;
	v22 =	vmov v23  }
0x1ae: {  	v23 =	vadd.s32 v32, v30;
	v30 =	vnsel vm0, $0x1, v31;
	vm0 =	vlt.s32 v34, $0x1;
	v31 =	vld.idx.msk [tilespmem:v35+s2+$0x0], $0xffff  }
0x1af: {  	v23 =	vadd.s32 v30, v23;
	v30 =	vnsel vm0, $0x1, v34;
	vm0 =	vlt.s32 v29, $0x1  }
0x1b0: {  	v23 =	vadd.s32 v30, v23;
	v29 =	vnsel vm0, $0x1, v29;
	vm0 =	vlt.s32 v28, $0x1  }
0x1b1: {  	v23 =	vadd.s32 v29, v23;
	v28 =	vnsel vm0, $0x1, v28;
	vm0 =	vlt.s32 v36, $0x1  }
0x1b2: {  	v23 =	vadd.s32 v28, v23;
	v28 =	vnsel vm0, $0x1, v36;
	vm0 =	vlt.s32 v33, $0x1  }
0x1b3: {  	v23 =	vadd.s32 v28, v23;
	v28 =	vnsel vm0, $0x1, v33;
	vm0 =	vlt.s32 v37, $0x1  }
0x1b4: {  	v23 =	vadd.s32 v28, v23;
	v28 =	vnsel vm0, $0x1, v37;
	vm0 =	vlt.s32 v31, $0x1  }
0x1b5: {  	v23 =	vadd.s32 v28, v23;
	v28 =	vnsel vm0, $0x1, v31  }
0x1b6: {  	v23 =	vadd.s32 v28, v23  }
0x1b7: {  	v28 =	vmov s24;
	vm0 =	vgt.s32 v23, $0x1  }
0x1b8: {  	v28 =	vmul.u32 $0xA, v28;
	v23 =	vnsel vm0, $0x1, v23  }
0x1b9: {  	v23 =	vcvt.s32.f32 v23  }
.Ltmp5:
0x1ba: {  	v28 =	vbroadcast v28, $0x0;
	(pc) =	sbr.rel @p0 .LBB2_12-.Ltmp5, $4  }
0x1bb: {  	[tilespmem:s1+$0x0] =	vst v23;
	s1 =	smov.u32 s0  }
0x1bc: {  	v31 =	vadd.s32 v0, v28;
	v23 =	vadd.s32 v16, v28;
	v30 =	vld.idx.msk [tilespmem:v19+s2+$0x0], $0xffff;
	v19 =	vadd.s32 v2, v28  }
0x1bd: {  	v34 =	vadd.s32 v4, v28;
	v29 =	vadd.s32 v6, v28;
	v32 =	vld.idx.msk [tilespmem:v18+s2+$0x0], $0xffff;
	v18 =	vmov v31  }
0x1be: {  	v33 =	vadd.s32 v14, v21;
	v31 =	vld.idx.msk [tilespmem:v20+s2+$0x0], $0xffff;
	v20 =	vmov v34  }
0x1bf: {  	_ =	sdelay $0x3  }
0x1c0: {  	v26 =	vld.idx.msk [tilespmem:v26+s2+$0x0], $0xffff  }
0x1c1: {  	v27 =	vld.idx.msk [tilespmem:v27+s2+$0x0], $0xffff;
	v21 =	vadd.s32 v17, v21  }
0x1c2: {  	v25 =	vld.idx.msk [tilespmem:v25+s2+$0x0], $0xffff  }
0x1c3: {  	v24 =	vld.idx.msk [tilespmem:v24+s2+$0x0], $0xffff;
	vm0 =	vlt.s32 v30, $0x1;
	vm1 =	vlt.s32 v32, $0x1  }
0x1c4: {  	v33 =	vld.idx.msk [tilespmem:v33+s2+$0x0], $0xffff;
	v30 =	vnsel vm0, $0x1, v30;
	v32 =	vnsel vm1, $0x1, v32;
	vm8 =	vlt.s32 v31, $0x1  }
0x1c5: {  	v22 =	vld.idx.msk [tilespmem:v22+s2+$0x0], $0xffff;
	v30 =	vadd.s32 v32, v30;
	v31 =	vnsel vm8, $0x1, v31;
	vm9 =	vlt.s32 v26, $0x1  }
0x1c6: {  	v21 =	vld.idx.msk [tilespmem:v21+s2+$0x0], $0xffff;
	vm10 =	vlt.s32 v27, $0x1;
	v30 =	vadd.s32 v31, v30;
	v26 =	vnsel vm9, $0x1, v26  }
0x1c7: {  	vm11 =	vlt.s32 v25, $0x1;
	v27 =	vnsel vm10, $0x1, v27;
	v26 =	vadd.s32 v26, v30  }
0x1c8: {  	vm12 =	vlt.s32 v24, $0x1;
	v25 =	vnsel vm11, $0x1, v25;
	v26 =	vadd.s32 v27, v26  }
0x1c9: {  	vm13 =	vlt.s32 v33, $0x1;
	v24 =	vnsel vm12, $0x1, v24;
	v25 =	vadd.s32 v25, v26  }
0x1ca: {  	vm14 =	vlt.s32 v22, $0x1;
	v24 =	vadd.s32 v24, v25;
	v25 =	vnsel vm13, $0x1, v33  }
0x1cb: {  	v22 =	vnsel vm14, $0x1, v22;
	vm15 =	vlt.s32 v21, $0x1;
	v24 =	vadd.s32 v25, v24  }
0x1cc: {  	v21 =	vnsel vm15, $0x1, v21;
	v22 =	vadd.s32 v22, v24  }
0x1cd: {  	v21 =	vadd.s32 v21, v22  }
0x1ce: {  	vm4 =	vgt.s32 v21, $0x1  }
0x1cf: {  	v21 =	vnsel vm4, $0x1, v21  }
0x1d0: {  	v21 =	vcvt.s32.f32 v21;
	_ =	sdelay $0x1  }
0x1d1: {  	v22 =	vadd.s32 v8, v28;
	[tilespmem:s1+$0x0] =	vst v21  }
0x1d2: {  	v21 =	vadd.s32 v10, v28;
	v19 =	vld.idx.msk [tilespmem:v19+s2+$0x0], $0xffff  }
0x1d3: {  	v24 =	vadd.s32 v12, v28;
	v18 =	vld.idx.msk [tilespmem:v18+s2+$0x0], $0xffff  }
0x1d4: {  	v25 =	vadd.s32 v14, v28;
	v20 =	vld.idx.msk [tilespmem:v20+s2+$0x0], $0xffff  }
0x1d5: {  	v26 =	vld.idx.msk [tilespmem:v29+s2+$0x0], $0xffff  }
0x1d6: {  	v27 =	vadd.s32 v17, v28;
	v22 =	vld.idx.msk [tilespmem:v22+s2+$0x0], $0xffff  }
0x1d7: {  	v21 =	vld.idx.msk [tilespmem:v21+s2+$0x0], $0xffff  }
0x1d8: {  	v24 =	vld.idx.msk [tilespmem:v24+s2+$0x0], $0xffff;
	vm5 =	vlt.s32 v19, $0x1;
	vm6 =	vlt.s32 v18, $0x1  }
0x1d9: {  	v25 =	vld.idx.msk [tilespmem:v25+s2+$0x0], $0xffff;
	vm7 =	vlt.s32 v20, $0x1;
	v19 =	vnsel vm5, $0x1, v19;
	v18 =	vnsel vm6, $0x1, v18  }
0x1da: {  	v23 =	vld.idx.msk [tilespmem:v23+s2+$0x0], $0xffff;
	vm8 =	vlt.s32 v26, $0x1;
	v18 =	vadd.s32 v18, v19;
	v19 =	vnsel vm7, $0x1, v20  }
0x1db: {  	vm9 =	vlt.s32 v22, $0x1;
	v20 =	vld.idx.msk [tilespmem:v27+s2+$0x0], $0xffff;
	v18 =	vadd.s32 v19, v18;
	v19 =	vnsel vm8, $0x1, v26  }
0x1dc: {  	v18 =	vadd.s32 v19, v18;
	v19 =	vnsel vm9, $0x1, v22;
	vm10 =	vlt.s32 v21, $0x1  }
0x1dd: {  	vm11 =	vlt.s32 v24, $0x1;
	v18 =	vadd.s32 v19, v18;
	v19 =	vnsel vm10, $0x1, v21  }
0x1de: {  	vm12 =	vlt.s32 v25, $0x1;
	v18 =	vadd.s32 v19, v18;
	v19 =	vnsel vm11, $0x1, v24  }
0x1df: {  	vm13 =	vlt.s32 v23, $0x1;
	v18 =	vadd.s32 v19, v18;
	v19 =	vnsel vm12, $0x1, v25  }
0x1e0: {  	vm14 =	vlt.s32 v20, $0x1;
	v18 =	vadd.s32 v19, v18;
	v19 =	vnsel vm13, $0x1, v23  }
0x1e1: {  	v18 =	vadd.s32 v19, v18;
	v19 =	vnsel vm14, $0x1, v20  }
0x1e2: {  	v18 =	vadd.s32 v19, v18  }
0x1e3: {  	vm15 =	vgt.s32 v18, $0x1  }
0x1e4: {  	v18 =	vnsel vm15, $0x1, v18  }
0x1e5: {  	v18 =	vcvt.s32.f32 v18  }
0x1e6: {  	s0 =	sadd.s32 $0x10, s0;
	s21 =	simm.s32 $0x180  }
0x1e7: {  	[tilespmem:s0+$0x0] =	vst v18;
	v18 =	vmov s21  }
0x1e8: {  	v18 =	vmul.u32 $0xA, v18  }
0x1e9: {  	_ =	swait.ge [sflag:s22], $0xA000  }
0x1ea: {  	s24 =	simm.s32 $0x190;
	[sflag:s22] =	ssyncset.done $0x0;
	v21 =	vbroadcast v18, $0x0  }
0x1eb: {  	v19 =	vmov s24;
	[sflag:s22] =	ssyncadd.s32 $0xFFFF6000  }
0x1ec: {  	v19 =	vmul.u32 $0xA, v19;
	[hbm4b:s10+s2] =	stream.linear.scatter [tilespmem:s18], [sflag:$0x4], $0xA000, $0x38;
	v18 =	vadd.s32 v2, v21;
	[tilespmem:$0x15600] =	vst v63  }
0x1ed: {  	_ =	swait.ge [sflag:s23], $0xA000;
	v20 =	vadd.s32 v0, v21  }
0x1ee: {  	v28 =	vbroadcast v19, $0x0;
	v31 =	vadd.s32 v4, v21;
	[sflag:s23] =	ssyncset.done $0x0  }
0x1ef: {  	[sflag:s23] =	ssyncadd.s32 $0xFFFF6000  }
0x1f0: {  	v19 =	vadd.s32 v2, v28;
	v26 =	vadd.s32 v6, v21;
	[tilespmem:s18], [sflag:$0x2] =	stream.indirect.gather [hbm4b:s3+s16], $0x40, s29, s16, $0xb8;
	[tilespmem:$0x15600] =	vst v63  }
0x1f1: {  	v23 =	vadd.s32 v16, v28;
	v29 =	vadd.s32 v6, v28;
	v27 =	vadd.s32 v8, v21;
	v30 =	vld.idx.msk [tilespmem:v18+s2+$0x0], $0xffff  }
0x1f2: {  	v22 =	vadd.s32 v16, v21;
	v25 =	vadd.s32 v10, v21;
	v24 =	vadd.s32 v12, v21;
	v32 =	vld.idx.msk [tilespmem:v20+s2+$0x0], $0xffff  }
0x1f3: {  	s1 =	simm.s32 $0x15580;
	s0 =	simm.s32 $0x15580;
	s21 =	simm.s32 $0x1A0;
	v33 =	vadd.s32 v14, v21;
	v18 =	vadd.s32 v0, v28;
	v20 =	vadd.s32 v4, v28;
	v31 =	vld.idx.msk [tilespmem:v31+s2+$0x0], $0xffff  }
.LBB2_14:
0x1f4: {  	p0 =	sne.s32 s21, $0x1B0  }
0x1f5: {  	v34 =	vld.idx.msk [tilespmem:v26+s2+$0x0], $0xffff;
	s0 =	sadd.s32 $0x10, s0;
	v26 =	vmov v29;
	s24 =	smov.u32 s21;
	s21 =	sadd.s32 $0x10, s21  }
0x1f6: {  	v35 =	vadd.s32 v17, v21;
	v21 =	vmov v28;
	v29 =	vld.idx.msk [tilespmem:v27+s2+$0x0], $0xffff;
	v27 =	vadd.s32 v8, v28  }
0x1f7: {  	v28 =	vld.idx.msk [tilespmem:v25+s2+$0x0], $0xffff;
	v25 =	vadd.s32 v10, v21  }
0x1f8: {  	vm0 =	vlt.s32 v30, $0x1;
	v36 =	vld.idx.msk [tilespmem:v24+s2+$0x0], $0xffff;
	v24 =	vadd.s32 v12, v21  }
0x1f9: {  	vm1 =	vlt.s32 v32, $0x1;
	v30 =	vnsel vm0, $0x1, v30;
	v33 =	vld.idx.msk [tilespmem:v33+s2+$0x0], $0xffff  }
0x1fa: {  	v32 =	vnsel vm1, $0x1, v32;
	vm0 =	vlt.s32 v31, $0x1;
	v37 =	vld.idx.msk [tilespmem:v22+s2+$0x0], $0xffff;
	v22 =	vmov v23  }
0x1fb: {  	v23 =	vadd.s32 v32, v30;
	v30 =	vnsel vm0, $0x1, v31;
	vm0 =	vlt.s32 v34, $0x1;
	v31 =	vld.idx.msk [tilespmem:v35+s2+$0x0], $0xffff  }
0x1fc: {  	v23 =	vadd.s32 v30, v23;
	v30 =	vnsel vm0, $0x1, v34;
	vm0 =	vlt.s32 v29, $0x1  }
0x1fd: {  	v23 =	vadd.s32 v30, v23;
	v29 =	vnsel vm0, $0x1, v29;
	vm0 =	vlt.s32 v28, $0x1  }
0x1fe: {  	v23 =	vadd.s32 v29, v23;
	v28 =	vnsel vm0, $0x1, v28;
	vm0 =	vlt.s32 v36, $0x1  }
0x1ff: {  	v23 =	vadd.s32 v28, v23;
	v28 =	vnsel vm0, $0x1, v36;
	vm0 =	vlt.s32 v33, $0x1  }
0x200: {  	v23 =	vadd.s32 v28, v23;
	v28 =	vnsel vm0, $0x1, v33;
	vm0 =	vlt.s32 v37, $0x1  }
0x201: {  	v23 =	vadd.s32 v28, v23;
	v28 =	vnsel vm0, $0x1, v37;
	vm0 =	vlt.s32 v31, $0x1  }
0x202: {  	v23 =	vadd.s32 v28, v23;
	v28 =	vnsel vm0, $0x1, v31  }
0x203: {  	v23 =	vadd.s32 v28, v23  }
0x204: {  	v28 =	vmov s24;
	vm0 =	vgt.s32 v23, $0x1  }
0x205: {  	v28 =	vmul.u32 $0xA, v28;
	v23 =	vnsel vm0, $0x1, v23  }
0x206: {  	v23 =	vcvt.s32.f32 v23  }
.Ltmp6:
0x207: {  	v28 =	vbroadcast v28, $0x0;
	(pc) =	sbr.rel @p0 .LBB2_14-.Ltmp6, $4  }
0x208: {  	[tilespmem:s1+$0x0] =	vst v23;
	s1 =	smov.u32 s0  }
0x209: {  	v31 =	vadd.s32 v0, v28;
	v23 =	vadd.s32 v16, v28;
	v30 =	vld.idx.msk [tilespmem:v19+s2+$0x0], $0xffff;
	v19 =	vadd.s32 v2, v28  }
0x20a: {  	v34 =	vadd.s32 v4, v28;
	v29 =	vadd.s32 v6, v28;
	v32 =	vld.idx.msk [tilespmem:v18+s2+$0x0], $0xffff;
	v18 =	vmov v31  }
0x20b: {  	v33 =	vadd.s32 v14, v21;
	v31 =	vld.idx.msk [tilespmem:v20+s2+$0x0], $0xffff;
	v20 =	vmov v34  }
0x20c: {  	_ =	sdelay $0x3  }
0x20d: {  	v26 =	vld.idx.msk [tilespmem:v26+s2+$0x0], $0xffff  }
0x20e: {  	v27 =	vld.idx.msk [tilespmem:v27+s2+$0x0], $0xffff;
	v21 =	vadd.s32 v17, v21  }
0x20f: {  	v25 =	vld.idx.msk [tilespmem:v25+s2+$0x0], $0xffff  }
0x210: {  	v24 =	vld.idx.msk [tilespmem:v24+s2+$0x0], $0xffff;
	vm0 =	vlt.s32 v30, $0x1;
	vm1 =	vlt.s32 v32, $0x1  }
0x211: {  	v33 =	vld.idx.msk [tilespmem:v33+s2+$0x0], $0xffff;
	v30 =	vnsel vm0, $0x1, v30;
	v32 =	vnsel vm1, $0x1, v32;
	vm8 =	vlt.s32 v31, $0x1  }
0x212: {  	v22 =	vld.idx.msk [tilespmem:v22+s2+$0x0], $0xffff;
	v30 =	vadd.s32 v32, v30;
	v31 =	vnsel vm8, $0x1, v31;
	vm9 =	vlt.s32 v26, $0x1  }
0x213: {  	v21 =	vld.idx.msk [tilespmem:v21+s2+$0x0], $0xffff;
	vm10 =	vlt.s32 v27, $0x1;
	v30 =	vadd.s32 v31, v30;
	v26 =	vnsel vm9, $0x1, v26  }
0x214: {  	vm11 =	vlt.s32 v25, $0x1;
	v27 =	vnsel vm10, $0x1, v27;
	v26 =	vadd.s32 v26, v30  }
0x215: {  	vm12 =	vlt.s32 v24, $0x1;
	v25 =	vnsel vm11, $0x1, v25;
	v26 =	vadd.s32 v27, v26  }
0x216: {  	vm13 =	vlt.s32 v33, $0x1;
	v24 =	vnsel vm12, $0x1, v24;
	v25 =	vadd.s32 v25, v26  }
0x217: {  	vm14 =	vlt.s32 v22, $0x1;
	v24 =	vadd.s32 v24, v25;
	v25 =	vnsel vm13, $0x1, v33  }
0x218: {  	v22 =	vnsel vm14, $0x1, v22;
	vm15 =	vlt.s32 v21, $0x1;
	v24 =	vadd.s32 v25, v24  }
0x219: {  	v21 =	vnsel vm15, $0x1, v21;
	v22 =	vadd.s32 v22, v24  }
0x21a: {  	v21 =	vadd.s32 v21, v22  }
0x21b: {  	vm4 =	vgt.s32 v21, $0x1  }
0x21c: {  	v21 =	vnsel vm4, $0x1, v21  }
0x21d: {  	v21 =	vcvt.s32.f32 v21;
	_ =	sdelay $0x1  }
0x21e: {  	v22 =	vadd.s32 v8, v28;
	[tilespmem:s1+$0x0] =	vst v21  }
0x21f: {  	v21 =	vadd.s32 v10, v28;
	v19 =	vld.idx.msk [tilespmem:v19+s2+$0x0], $0xffff  }
0x220: {  	v24 =	vadd.s32 v12, v28;
	v18 =	vld.idx.msk [tilespmem:v18+s2+$0x0], $0xffff  }
0x221: {  	v25 =	vadd.s32 v14, v28;
	v20 =	vld.idx.msk [tilespmem:v20+s2+$0x0], $0xffff  }
0x222: {  	v26 =	vld.idx.msk [tilespmem:v29+s2+$0x0], $0xffff  }
0x223: {  	v27 =	vadd.s32 v17, v28;
	v22 =	vld.idx.msk [tilespmem:v22+s2+$0x0], $0xffff  }
0x224: {  	v21 =	vld.idx.msk [tilespmem:v21+s2+$0x0], $0xffff  }
0x225: {  	v24 =	vld.idx.msk [tilespmem:v24+s2+$0x0], $0xffff;
	vm5 =	vlt.s32 v19, $0x1;
	vm6 =	vlt.s32 v18, $0x1  }
0x226: {  	v25 =	vld.idx.msk [tilespmem:v25+s2+$0x0], $0xffff;
	vm7 =	vlt.s32 v20, $0x1;
	v19 =	vnsel vm5, $0x1, v19;
	v18 =	vnsel vm6, $0x1, v18  }
0x227: {  	v23 =	vld.idx.msk [tilespmem:v23+s2+$0x0], $0xffff;
	vm8 =	vlt.s32 v26, $0x1;
	v18 =	vadd.s32 v18, v19;
	v19 =	vnsel vm7, $0x1, v20  }
0x228: {  	vm9 =	vlt.s32 v22, $0x1;
	v20 =	vld.idx.msk [tilespmem:v27+s2+$0x0], $0xffff;
	v18 =	vadd.s32 v19, v18;
	v19 =	vnsel vm8, $0x1, v26  }
0x229: {  	v18 =	vadd.s32 v19, v18;
	v19 =	vnsel vm9, $0x1, v22;
	vm10 =	vlt.s32 v21, $0x1  }
0x22a: {  	vm11 =	vlt.s32 v24, $0x1;
	v18 =	vadd.s32 v19, v18;
	v19 =	vnsel vm10, $0x1, v21  }
0x22b: {  	vm12 =	vlt.s32 v25, $0x1;
	v18 =	vadd.s32 v19, v18;
	v19 =	vnsel vm11, $0x1, v24  }
0x22c: {  	vm13 =	vlt.s32 v23, $0x1;
	v18 =	vadd.s32 v19, v18;
	v19 =	vnsel vm12, $0x1, v25  }
0x22d: {  	vm14 =	vlt.s32 v20, $0x1;
	v18 =	vadd.s32 v19, v18;
	v19 =	vnsel vm13, $0x1, v23  }
0x22e: {  	v18 =	vadd.s32 v19, v18;
	v19 =	vnsel vm14, $0x1, v20  }
0x22f: {  	v18 =	vadd.s32 v19, v18  }
0x230: {  	vm15 =	vgt.s32 v18, $0x1  }
0x231: {  	s21 =	simm.s32 $0x1C0;
	v18 =	vnsel vm15, $0x1, v18  }
0x232: {  	v19 =	vmov s21;
	v18 =	vcvt.s32.f32 v18  }
0x233: {  	s0 =	sadd.s32 $0x10, s0;
	v19 =	vmul.u32 $0xA, v19  }
0x234: {  	[tilespmem:s0+$0x0] =	vst v18  }
0x235: {  	v21 =	vbroadcast v19, $0x0;
	_ =	swait.ge [sflag:s19], $0xA000  }
0x236: {  	[sflag:s19] =	ssyncset.done $0x0  }
0x237: {  	s24 =	simm.s32 $0x1D0;
	v18 =	vadd.s32 v2, v21;
	[sflag:s19] =	ssyncadd.s32 $0xFFFF6000  }
0x238: {  	v19 =	vmov s24;
	v20 =	vadd.s32 v0, v21;
	[hbm4b:s11+s2] =	stream.linear.scatter [tilespmem:s17], [sflag:$0x3], $0xA000, $0x38;
	[tilespmem:$0x15600] =	vst v63  }
0x239: {  	v19 =	vmul.u32 $0xA, v19;
	v31 =	vadd.s32 v4, v21;
	_ =	swait.ge [sflag:s20], $0xA000  }
0x23a: {  	[sflag:s20] =	ssyncset.done $0x0  }
0x23b: {  	v22 =	vadd.s32 v16, v21;
	v26 =	vadd.s32 v6, v21;
	v28 =	vbroadcast v19, $0x0;
	[sflag:s20] =	ssyncadd.s32 $0xFFFF6000  }
0x23c: {  	v27 =	vadd.s32 v8, v21;
	v25 =	vadd.s32 v10, v21;
	v24 =	vadd.s32 v12, v21;
	v30 =	vld.idx.msk [tilespmem:v18+s2+$0x0], $0xffff  }
0x23d: {  	v33 =	vadd.s32 v14, v21;
	v19 =	vadd.s32 v2, v28;
	v23 =	vadd.s32 v16, v28;
	v32 =	vld.idx.msk [tilespmem:v20+s2+$0x0], $0xffff  }
0x23e: {  	s1 =	simm.s32 $0x155C0;
	s21 =	simm.s32 $0x1E0;
	s0 =	simm.s32 $0x155C0;
	v29 =	vadd.s32 v6, v28;
	v18 =	vadd.s32 v0, v28;
	v20 =	vadd.s32 v4, v28;
	v31 =	vld.idx.msk [tilespmem:v31+s2+$0x0], $0xffff  }
.LBB2_16:
0x23f: {  	p0 =	sne.s32 s21, $0x1F0  }
0x240: {  	v34 =	vld.idx.msk [tilespmem:v26+s2+$0x0], $0xffff;
	s0 =	sadd.s32 $0x10, s0;
	v26 =	vmov v29;
	s24 =	smov.u32 s21;
	s21 =	sadd.s32 $0x10, s21  }
0x241: {  	v35 =	vadd.s32 v17, v21;
	v21 =	vmov v28;
	v29 =	vld.idx.msk [tilespmem:v27+s2+$0x0], $0xffff;
	v27 =	vadd.s32 v8, v28  }
0x242: {  	v28 =	vld.idx.msk [tilespmem:v25+s2+$0x0], $0xffff;
	v25 =	vadd.s32 v10, v21  }
0x243: {  	vm0 =	vlt.s32 v30, $0x1;
	v36 =	vld.idx.msk [tilespmem:v24+s2+$0x0], $0xffff;
	v24 =	vadd.s32 v12, v21  }
0x244: {  	vm1 =	vlt.s32 v32, $0x1;
	v30 =	vnsel vm0, $0x1, v30;
	v33 =	vld.idx.msk [tilespmem:v33+s2+$0x0], $0xffff  }
0x245: {  	v32 =	vnsel vm1, $0x1, v32;
	vm0 =	vlt.s32 v31, $0x1;
	v37 =	vld.idx.msk [tilespmem:v22+s2+$0x0], $0xffff;
	v22 =	vmov v23  }
0x246: {  	v23 =	vadd.s32 v32, v30;
	v30 =	vnsel vm0, $0x1, v31;
	vm0 =	vlt.s32 v34, $0x1;
	v31 =	vld.idx.msk [tilespmem:v35+s2+$0x0], $0xffff  }
0x247: {  	v23 =	vadd.s32 v30, v23;
	v30 =	vnsel vm0, $0x1, v34;
	vm0 =	vlt.s32 v29, $0x1  }
0x248: {  	v23 =	vadd.s32 v30, v23;
	v29 =	vnsel vm0, $0x1, v29;
	vm0 =	vlt.s32 v28, $0x1  }
0x249: {  	v23 =	vadd.s32 v29, v23;
	v28 =	vnsel vm0, $0x1, v28;
	vm0 =	vlt.s32 v36, $0x1  }
0x24a: {  	v23 =	vadd.s32 v28, v23;
	v28 =	vnsel vm0, $0x1, v36;
	vm0 =	vlt.s32 v33, $0x1  }
0x24b: {  	v23 =	vadd.s32 v28, v23;
	v28 =	vnsel vm0, $0x1, v33;
	vm0 =	vlt.s32 v37, $0x1  }
0x24c: {  	v23 =	vadd.s32 v28, v23;
	v28 =	vnsel vm0, $0x1, v37;
	vm0 =	vlt.s32 v31, $0x1  }
0x24d: {  	v23 =	vadd.s32 v28, v23;
	v28 =	vnsel vm0, $0x1, v31  }
0x24e: {  	v23 =	vadd.s32 v28, v23  }
0x24f: {  	v28 =	vmov s24;
	vm0 =	vgt.s32 v23, $0x1  }
0x250: {  	v28 =	vmul.u32 $0xA, v28;
	v23 =	vnsel vm0, $0x1, v23  }
0x251: {  	v23 =	vcvt.s32.f32 v23  }
.Ltmp7:
0x252: {  	v28 =	vbroadcast v28, $0x0;
	(pc) =	sbr.rel @p0 .LBB2_16-.Ltmp7, $4  }
0x253: {  	[tilespmem:s1+$0x0] =	vst v23;
	s1 =	smov.u32 s0  }
0x254: {  	v31 =	vadd.s32 v0, v28;
	v23 =	vadd.s32 v16, v28;
	v30 =	vld.idx.msk [tilespmem:v19+s2+$0x0], $0xffff;
	v19 =	vadd.s32 v2, v28  }
0x255: {  	v34 =	vadd.s32 v4, v28;
	v29 =	vadd.s32 v6, v28;
	v32 =	vld.idx.msk [tilespmem:v18+s2+$0x0], $0xffff;
	v18 =	vmov v31  }
0x256: {  	v33 =	vadd.s32 v14, v21;
	v31 =	vld.idx.msk [tilespmem:v20+s2+$0x0], $0xffff;
	v20 =	vmov v34  }
0x257: {  	_ =	sdelay $0x3  }
0x258: {  	v26 =	vld.idx.msk [tilespmem:v26+s2+$0x0], $0xffff  }
0x259: {  	v27 =	vld.idx.msk [tilespmem:v27+s2+$0x0], $0xffff;
	v21 =	vadd.s32 v17, v21  }
0x25a: {  	v25 =	vld.idx.msk [tilespmem:v25+s2+$0x0], $0xffff  }
0x25b: {  	v24 =	vld.idx.msk [tilespmem:v24+s2+$0x0], $0xffff;
	vm0 =	vlt.s32 v30, $0x1;
	vm1 =	vlt.s32 v32, $0x1  }
0x25c: {  	v33 =	vld.idx.msk [tilespmem:v33+s2+$0x0], $0xffff;
	v30 =	vnsel vm0, $0x1, v30;
	v32 =	vnsel vm1, $0x1, v32;
	vm8 =	vlt.s32 v31, $0x1  }
0x25d: {  	v22 =	vld.idx.msk [tilespmem:v22+s2+$0x0], $0xffff;
	v30 =	vadd.s32 v32, v30;
	v31 =	vnsel vm8, $0x1, v31;
	vm9 =	vlt.s32 v26, $0x1  }
0x25e: {  	v21 =	vld.idx.msk [tilespmem:v21+s2+$0x0], $0xffff;
	vm10 =	vlt.s32 v27, $0x1;
	v30 =	vadd.s32 v31, v30;
	v26 =	vnsel vm9, $0x1, v26  }
0x25f: {  	vm11 =	vlt.s32 v25, $0x1;
	v27 =	vnsel vm10, $0x1, v27;
	v26 =	vadd.s32 v26, v30  }
0x260: {  	vm12 =	vlt.s32 v24, $0x1;
	v25 =	vnsel vm11, $0x1, v25;
	v26 =	vadd.s32 v27, v26  }
0x261: {  	vm13 =	vlt.s32 v33, $0x1;
	v24 =	vnsel vm12, $0x1, v24;
	v25 =	vadd.s32 v25, v26  }
0x262: {  	vm14 =	vlt.s32 v22, $0x1;
	v56 =	vnsel vm13, $0x1, v33;
	v24 =	vadd.s32 v24, v25  }
0x263: {  	v22 =	vnsel vm14, $0x1, v22;
	vm15 =	vlt.s32 v21, $0x1;
	v24 =	vadd.s32 v56, v24  }
0x264: {  	v21 =	vnsel vm15, $0x1, v21;
	v22 =	vadd.s32 v22, v24  }
0x265: {  	v21 =	vadd.s32 v21, v22  }
0x266: {  	vm4 =	vgt.s32 v21, $0x1  }
0x267: {  	v21 =	vnsel vm4, $0x1, v21  }
0x268: {  	v21 =	vcvt.s32.f32 v21;
	_ =	sdelay $0x1  }
0x269: {  	v57 =	vadd.s32 v8, v28;
	[tilespmem:s1+$0x0] =	vst v21  }
0x26a: {  	v58 =	vadd.s32 v10, v28;
	v19 =	vld.idx.msk [tilespmem:v19+s2+$0x0], $0xffff  }
0x26b: {  	v59 =	vadd.s32 v12, v28;
	v18 =	vld.idx.msk [tilespmem:v18+s2+$0x0], $0xffff  }
0x26c: {  	v60 =	vadd.s32 v14, v28;
	v20 =	vld.idx.msk [tilespmem:v20+s2+$0x0], $0xffff  }
0x26d: {  	v61 =	vld.idx.msk [tilespmem:v29+s2+$0x0], $0xffff  }
0x26e: {  	v62 =	vadd.s32 v17, v28;
	v22 =	vld.idx.msk [tilespmem:v57+s2+$0x0], $0xffff  }
0x26f: {  	v21 =	vld.idx.msk [tilespmem:v58+s2+$0x0], $0xffff  }
0x270: {  	v24 =	vld.idx.msk [tilespmem:v59+s2+$0x0], $0xffff;
	vm5 =	vlt.s32 v19, $0x1;
	vm6 =	vlt.s32 v18, $0x1  }
0x271: {  	v25 =	vld.idx.msk [tilespmem:v60+s2+$0x0], $0xffff;
	vm7 =	vlt.s32 v20, $0x1;
	v19 =	vnsel vm5, $0x1, v19;
	v18 =	vnsel vm6, $0x1, v18  }
0x272: {  	v23 =	vld.idx.msk [tilespmem:v23+s2+$0x0], $0xffff;
	vm8 =	vlt.s32 v61, $0x1;
	v18 =	vadd.s32 v18, v19;
	v19 =	vnsel vm7, $0x1, v20  }
0x273: {  	v63 =	vld.idx.msk [tilespmem:v62+s2+$0x0], $0xffff;
	vm9 =	vlt.s32 v22, $0x1;
	v18 =	vadd.s32 v19, v18;
	v19 =	vnsel vm8, $0x1, v61  }
0x274: {  	vm10 =	vlt.s32 v21, $0x1;
	v18 =	vadd.s32 v19, v18;
	v19 =	vnsel vm9, $0x1, v22  }
0x275: {  	vm11 =	vlt.s32 v24, $0x1;
	v18 =	vadd.s32 v19, v18;
	v19 =	vnsel vm10, $0x1, v21  }
0x276: {  	vm12 =	vlt.s32 v25, $0x1;
	v18 =	vadd.s32 v19, v18;
	v19 =	vnsel vm11, $0x1, v24  }
0x277: {  	vm13 =	vlt.s32 v23, $0x1;
	v18 =	vadd.s32 v19, v18;
	v19 =	vnsel vm12, $0x1, v25  }
0x278: {  	vm14 =	vlt.s32 v63, $0x1;
	v18 =	vadd.s32 v19, v18;
	v19 =	vnsel vm13, $0x1, v23  }
0x279: {  	v18 =	vadd.s32 v19, v18;
	v19 =	vnsel vm14, $0x1, v63  }
0x27a: {  	v18 =	vadd.s32 v19, v18  }
0x27b: {  	vm15 =	vgt.s32 v18, $0x1  }
0x27c: {  	v18 =	vnsel vm15, $0x1, v18  }
0x27d: {  	v18 =	vcvt.s32.f32 v18  }
0x27e: {  	s0 =	sadd.s32 $0x10, s0  }
0x27f: {  	[tilespmem:s0+$0x0] =	vst v18  }
0x280: {  	_ =	swait.ge [sflag:s22], $0xA000  }
0x281: {  	[sflag:s22] =	ssyncset.done $0x0  }
0x282: {  	[sflag:s22] =	ssyncadd.s32 $0xFFFF6000  }
0x283: {  	[hbm4b:s12+s2] =	stream.linear.scatter [tilespmem:s18], [sflag:$0x4], $0xA000, $0x38;
	[tilespmem:$0x15600] =	vst v63  }
0x284: {  	s31 =	sadd.s32 $0x1, s31;
	_ =	swait.ge [sflag:s23], $0xA000  }
0x285: {  	p0 =	sne.s32 s31, s14;
	[sflag:s23] =	ssyncset.done $0x0  }
.Ltmp8:
0x286: {  	[sflag:s23] =	ssyncadd.s32 $0xFFFF6000;
	(pc) =	sbr.rel @p0 .LBB2_1-.Ltmp8, $4  }
0x287: {  	[hbm4b:s13+s2] =	stream.linear.scatter [tilespmem:s30], [sflag:$0x5], $0x200, $0x38;
	[tilespmem:$0x15600] =	vst v63  }
0x288: {  	_ =	swait.ge [sflag:s15], $0x200  }
0x289: {  	[sflag:s15] =	ssyncset.done $0x0  }
0x28a: {  	[sflag:s15] =	ssyncadd.s32 $0xFFFFFE00  }
0x28b: {  	_ =	sfence.sel $0x180000  }
0x28c: {  	[bflag:$0x0] =	sbarrier.arrive $0xFFFF  }
0x28d: {  	_ =	strace $0x90000047  }
0x28e: {  	s0 =	stileid.u32;
	[bflag:$0x2] =	sbarrier.arrive $0xFFFF  }
0x28f: {  	p0 =	sne.s32 s0, $0x0;
	s0 =	rddreg [dreg:$0x4]  }
0x290: {  	s0 =	sadd.s32 @!p0 $0x100000, s0  }
0x291: {  	[sflag:s0] =	ssyncadd.tile.s32 @!p0 $0x1;
	_ =	shalt  }
.Lfunc_end2:
_tile_overlayer_lowered:
.L_overlay_start_2:
0x292: {  	(tag) =	ssettag $0x2  }
0x293: {  	s0 =	rddreg [dreg:$0x0];
	s2 =	stileid.u32  }
0x294: {  	s1 =	rddreg [dreg:$0x1];
	p0 =	sne.s32 s2, $0x0  }
0x295: {  	s3 =	rddreg [dreg:$0x2];
	[bflag:$0x3] =	sbarrier.arrive $0xFFFF;
	s2 =	simm.s32 @!p0 $0x1C05  }
0x296: {  	[timem:s3], [sflag:s2] =	dma.local @!p0 [hbm:s0], s1  }
0x297: {  	s0 =	simm.s32 @!p0 $0x5  }
0x298: {  	_ =	swait.ge @!p0 [sflag:s0], s1  }
0x299: {  	s1 =	ssub.s32 @!p0 $0x0, s1;
	[sflag:s0] =	ssyncset.done @!p0 $0x0  }
0x29a: {  	[sflag:s0] =	ssyncadd.s32 @!p0 s1  }
0x29b: {  	[bflag:$0x3] =	sbarrier.arrive $0xFFFF  }
0x29c: {  	_ =	shalt  }

// kernel: sparse-core-data-format-call.cloned.1.call-start
scs
called_computation_lowered:
.L_overlay_start_0:
0x0: {  	s2 =	sld [smem:$0x3FD9]  }
0x1: {  	s3 =	sld [smem:$0x3FFE];
	_ =	sdelay $0x1  }
0x2: {  	s1 =	srdreg.scid  }
0x3: {  	s0 =	sand.u32 $0x1, s1  }
0x4: {  	s15 =	sshll.u32 s0, $0xA;
	s2 =	sadd.s32 s3, s2  }
0x5: {  	s2 =	sadd.s32 s2, s15  }
0x6: {  	[smem:$0x3FC6] =	sst s2  }
0x7: {  	_ = 	snop  }
0x8: {  	s2 =	sld [smem:$0x3FD0];
	_ =	sdelay $0x2  }
0x9: {  	s16 =	simm.s32 $0xA;
	s4 =	simm.s32 $0x10  }
0xa: {  	[smem:s4], [sflag:s16] =	dma.local [hbm:s2], $0x1  }
0xb: {  	_ =	swait.eq [sflag:s16], $0x1  }
0xc: {  	[sflag:s16] =	ssyncset.done $0x0  }
0xd: {  	[sflag:s16] =	ssyncadd.s32 $0xFFFFFFFF  }
0xe: {  	s17 =	sld [smem:$0x10];
	(tm) =	ssettm $0x1  }
0xf: {  	s18 =	sld [smem:$0x3FFB];
	_ =	sdelay $0x3  }
0x10: {  	_ =	strace s18  }
0x11: {  	s3 =	sld [smem:$0x3FFC];
	_ =	sdelay $0x3  }
0x12: {  	_ =	strace s3  }
0x13: {  	s3 =	sld [smem:$0x3FFD];
	_ =	sdelay $0x3  }
0x14: {  	_ =	strace s3  }
0x15: {  	_ =	strace $0x8FFFFFFF  }
0x16: {  	s19 =	sld [smem:$0x3FDB];
	_ =	sdelay $0x1  }
0x17: {  	s20 =	simm.s32 $_scs_section_size  }
0x18: {  	s5 =	simm.s32 $_size__tile_overlayer_lowered;
	s6 =	simm.s32 $_tile_overlayer_lowered  }
0x19: {  	s23 =	simm.s32 $0x1BFF;
	s22 =	sshll.u32 s6, $0x1;
	s3 =	sadd.s32 s20, s19  }
0x1a: {  	s7 =	simm.s32 $0x0;
	s21 =	sshll.u32 s5, $0x1;
	s5 =	sadd.s32 s22, s3  }
0x1b: {  	[timem:s7], [sflag:s23] =	dma.local [hbm:s5], s21  }
0x1c: {  	_ =	swait.ge [sflag:s23], s21  }
0x1d: {  	s4 =	ssub.s32 $0x0, s21;
	[sflag:s23] =	ssyncset.done $0x0  }
0x1e: {  	[sflag:s23] =	ssyncadd.s32 s4;
	_ =	sdelay $0x1  }
0x1f: {  	s24 =	simm.s32 $0x1B8B  }
0x20: {  	_ =	swait.ge [sflag:s24], $0x1  }
0x21: {  	[sflag:s24] =	ssyncset.done $0x0  }
0x22: {  	s26 =	simm.s32 $0x1B8E;
	s25 =	sld [smem:$0x3FFE];
	[sflag:s24] =	ssyncadd.s32 $0xFFFFFFFF  }
0x23: {  	s27 =	simm.s32 $execute0_lowered;
	[smem:$0x3FD2] =	sst s26  }
0x24: {  	s5 =	sshll.u32 s27, $0x1;
	_ =	strace $0x80000049;
	[dreg:$0x1] =	wrdreg $0xFFFFFFFF  }
0x25: {  	s28 =	simm.s32 $_size_execute0_lowered;
	s3 =	sadd.s32 s3, s5;
	[dreg:$0x0] =	wrdreg $0x0  }
0x26: {  	s5 =	sshll.u32 s28, $0x1;
	[dreg:$0x2] =	wrdreg s3  }
0x27: {  	[dreg:$0x3] =	wrdreg s5  }
0x28: {  	[dreg:$0x4] =	wrdreg $0xC0  }
0x29: {  	_ =	task [dreg:s7], $0x5FFFF  }
0x2a: {  	[dreg:$0x1] =	wrdreg $0xFFFFFFFF  }
0x2b: {  	[dreg:$0x0] =	wrdreg $0x60  }
0x2c: {  	[dreg:$0x2] =	wrdreg s25  }
0x2d: {  	[dreg:$0x3] =	wrdreg s17  }
0x2e: {  	[dreg:$0x4] =	wrdreg $0x9  }
0x2f: {  	_ =	task.clear_ibuf [dreg:s7], $0x5FFFF;
	_ =	strace $0x90000049  }
0x30: {  	s29 =	simm.s32 $0x9;
	_ =	strace $0x8000004B  }
0x31: {  	_ =	swait.ge [sflag:s29], $0x1  }
0x32: {  	[sflag:s29] =	ssyncadd.s32 $0xFFFFFFFF  }
0x33: {  	_ =	strace $0x9000004B  }
0x34: {  	_ =	sfence  }
0x35: {  	s30 =	sld [smem:$0x0];
	_ =	sdelay $0x2  }
0x36: {  	s31 =	sshll.u32 s1, $0xD;
	s1 =	sshrl.u32 s1, $0x2  }
0x37: {  	s3 =	sand.u32 $0x4000, s31;
	s1 =	sadd.s32 s1, s30  }
0x38: {  	s0 =	sor.u32 s3, s0;
	s1 =	sshll.u32 s1, $0x11  }
0x39: {  	s0 =	sor.u32 s1, s0  }
0x3a: {  	s0 =	sadd.s32 $0x8F2B, s0  }
0x3b: {  	[sflag:s0] =	ssyncadd.remote.s32 $0x1  }
0x3c: {  	_ =	sfence.sel $0xFFFF  }
0x3d: {  	[dreg:$0x0] =	wrdreg $0xFFFFFFFF;
	(pc) =	sbr.abs _section_cstart, $3  }
0x3e: {  	[dreg:$0x1] =	wrdreg $0xFFFFFFFF  }
0x3f: {  	_ =	task.clear_ibuf [dreg:s7], $0x2FFFF;
	_ =	strace $0x9FFFFFFF  }
0x40: {  	(tm) =	ssettm $0x7FFFFFFF  }
0x41: {  	_ =	shalt  }
tec
execute0_lowered:
.L_overlay_start_1:
0x0: {  	(tag) =	ssettag $0x1  }
0x1: {  	s0 =	srdreg.scid  }
0x2: {  	s1 =	sshll.u32 s0, $0x4  }
0x3: {  	s4 =	rddreg [dreg:$0x0];
	s0 =	stileid.u32;
	s1 =	sand.u32 $0x10, s1  }
0x4: {  	s2 =	rddreg [dreg:$0x1];
	s7 =	simm.s32 $0x1;
	s1 =	sor.u32 s0, s1  }
0x5: {  	s8 =	simm.s32 $0x2;
	s11 =	simm.s32 $0x0;
	s3 =	sshll.u32 s1, $0x7  }
0x6: {  	s10 =	simm.s32 $0x0;
	s4 =	sadd.s32 $0xC00, s4;
	s6 =	ssub.s32 $0x28000, s3  }
.Ltmp0:
0x7: {  	s1 =	rddreg [dreg:$0x2];
	s5 =	sand.u32 $0xF80, s6;
	(pc) =	sbr.rel .LBB1_1-.Ltmp0, $4  }
0x8: {  	_ =	strace $0x8000004A;
	s9 =	smov.u32 s3;
	p0 =	sne.s32 s5, $0x0  }
0x9: {  	s6 =	sshrl.u32 s6, $0xC;
	s5 =	simm.s32 $0x1;
	s7 =	simm.s32 @!p0 $0x0  }
0xa: {  	[sflag:s5] =	ssyncpa.u1 $0x0;
	p0 =	por $0x0, $0x0;
	s6 =	sadd.s32 s7, s6  }
0xb: {  	[sflag:s8] =	ssyncpa.u1 $0x0;
	s8 =	simm.s32 $0x140000;
	s7 =	sadd.s32 $0x1, s6  }
.LBB1_4:
0xc: {  	s14 =	sshll.u32 s11, $0x3  }
0xd: {  	s30 =	sand.u32 $0x7F, s11;
	s15 =	sand.u32 $0xFFFFFC00, s14  }
0xe: {  	s11 =	sor.u32 s30, s15  }
0xf: {  	s15 =	smulhi.u32 $0xCCCCCCCD, s11  }
0x10: {  	s14 =	smulhi.u32 $0xCCCCCCCD, s14  }
0x11: {  	s15 =	sshrl.u32 s15, $0x11  }
0x12: {  	s14 =	sshrl.u32 s14, $0x11;
	s15 =	smul.u32 $0x28000, s15  }
0x13: {  	s14 =	sand.u32 $0x3F, s14  }
0x14: {  	s14 =	smul.u32 $0x5000, s14;
	s11 =	ssub.s32 s11, s15  }
0x15: {  	[tilespmem:s13+$0x810 ss:$0x81] =	vst.msk $0xffff, v2;
	s15 =	sand.u32 $0x7, s11  }
0x16: {  	[tilespmem:s13+$0x1020 ss:$0x81] =	vst.msk $0xffff, v0;
	s14 =	sadd.s32 s2, s14;
	s11 =	sshrl.u32 s11, $0x3;
	s15 =	sshll.u32 s15, $0x12  }
0x17: {  	[tilespmem:s13+$0x0 ss:$0x81] =	vst.msk $0xffff, v1;
	s11 =	sadd.s32 s11, s14;
	s31 =	sor.u32 $0x400, s15  }
0x18: {  	[hbm4b:s11+s31] =	stream.strided.scatter [tilespmem:s12], [sflag:$0x2], $0x2000, s8, s31, $0x20;
	[tilespmem:$0x8080] =	vst v63  }
.LBB1_5:
0x19: {  	s13 =	sadd.s32 $0x1000, s9  }
0x1a: {  	p2 =	sgt.s32 s13, $0x27FFF  }
0x1b: {  	s13 =	smov.u32 @p2 s3;
	p2 =	sne.s32 s10, s7  }
.Ltmp1:
0x1c: {  	p1 =	slt.u32 s10, $0x2;
	(pc) =	sbr.rel @!p2 .LBB1_6-.Ltmp1, $4  }
0x1d: {  	s12 =	simm.s32 @!p1 $0x2  }
0x1e: {  	s14 =	sadd.s32 $0x1, s10;
	_ =	swait.ge @!p1 [sflag:s12], $0x2000  }
0x1f: {  	s11 =	smov.u32 s9;
	p0 =	por !p0, !p0;
	[sflag:s12] =	ssyncset.done @!p1 $0x0  }
0x20: {  	s10 =	smov.u32 s14;
	s9 =	smov.u32 s13;
	[sflag:s12] =	ssyncadd.s32 @!p1 $0xFFFFE000  }
.LBB1_1:
0x21: {  	p1 =	sge.u32 s10, s6  }
0x22: {  	s12 =	sand.u32 @!p1 $0x1FFFFFF, s9  }
0x23: {  	s13 =	smulhi.u32 @!p1 $0xCCCCCD, s12;
	_ =	sdelay $0x1  }
0x24: {  	s13 =	sshrl.u32 @!p1 s13, $0x9  }
0x25: {  	s13 =	smul.u32 @!p1 $0x28000, s13;
	_ =	sdelay $0x1  }
0x26: {  	s31 =	sadd.s32 $0xFFFFFFFF, s10;
	s14 =	sxor.u32 @!p1 $0xFFFFFFFF, s10;
	s12 =	ssub.s32 @!p1 s12, s13  }
0x27: {  	s15 =	simm.s32 @!p1 $0x80;
	s14 =	sshll.u32 @!p1 s14, $0xD;
	s12 =	sshll.u32 @!p1 s12, $0x4  }
0x28: {  	s13 =	sand.u32 @!p1 $0x2000, s14;
	s14 =	simm.s32 @!p1 $0x40;
	s12 =	sadd.s32 @!p1 s4, s12  }
0x29: {  	[tilespmem:s13], [sflag:$0x1] =	stream.strided.gather @!p1 [hbm4b:s12+s14], $0x2000, s15, s14, $0x38;
	[tilespmem:$0x8080] =	vst v63  }
0x2a: {  	p1 =	sge.u32 s31, s6  }
.Ltmp2:
0x2b: {  	_ = 	snop;
	(pc) =	sbr.rel @p1 .LBB1_5-.Ltmp2, $1  }
0x2c: {  	_ =	sdelay $0x3  }
0x2d: {  	s12 =	simm.s32 $0x1  }
0x2e: {  	_ =	swait.ge [sflag:s5], $0x2000;
	s12 =	simm.s32 @!p0 $0x0  }
0x2f: {  	[sflag:s5] =	ssyncset.done $0x0;
	s13 =	sshll.u32 s12, $0xD  }
0x30: {  	[sflag:s5] =	ssyncadd.s32 $0xFFFFE000;
	s16 =	sor.u32 $0x20, s13  }
0x31: {  	s12 =	smul.u32 $0x8100, s12;
	v3 =	vld [tilespmem:s16+$0x10]  }
0x32: {  	s30 =	sand.u32 $0x1, s10;
	v2 =	vld [tilespmem:s16+$0xFFFFFFF0]  }
0x33: {  	s13 =	smul.u32 $0x8100, s30;
	s12 =	sshrl.u32 s12, $0x2;
	v0 =	vld [tilespmem:s16+$0x0]  }
0x34: {  	v1 =	vld [tilespmem:s16+$0xFFFFFFE0];
	s14 =	sor.u32 $0x4000, s12  }
0x35: {  	s31 =	sshrl.u32 s13, $0x2;
	s13 =	sadd.s32 $0x0, s14  }
0x36: {  	s15 =	simm.s32 $0x4;
	s16 =	sadd.s32 $0x40, s16;
	s12 =	sor.u32 $0x4000, s31;
	[tilespmem:s13+$0x1830 ss:$0x81] =	vst.msk $0xffff, v3  }
.LBB1_3:
0x37: {  	v3 =	vld [tilespmem:s16+$0x10];
	p1 =	sne.s32 s15, $0x1FC;
	[tilespmem:s13+$0x810 ss:$0x81] =	vst.msk $0xffff, v2;
	s17 =	smov.u32 s15;
	s15 =	sadd.s32 $0x4, s15  }
.Ltmp3:
0x38: {  	v2 =	vld [tilespmem:s16+$0xFFFFFFF0];
	[tilespmem:s13+$0x1020 ss:$0x81] =	vst.msk $0xffff, v0;
	(pc) =	sbr.rel @p1 .LBB1_3-.Ltmp3, $4  }
0x39: {  	v0 =	vld [tilespmem:s16+$0x0];
	[tilespmem:s13+$0x0 ss:$0x81] =	vst.msk $0xffff, v1  }
0x3a: {  	s13 =	sshra.s32 s17, $0x2;
	v1 =	vld [tilespmem:s16+$0xFFFFFFE0]  }
0x3b: {  	s13 =	sadd.s32 s13, s14  }
0x3c: {  	s16 =	sadd.s32 $0x40, s16;
	[tilespmem:s13+$0x1830 ss:$0x81] =	vst.msk $0xffff, v3  }
.Ltmp4:
0x3d: {  	_ = 	snop;
	(pc) =	sbr.rel .LBB1_4-.Ltmp4, $1  }
0x3e: {  	_ =	sdelay $0x3  }
.LBB1_6:
0x3f: {  	_ =	sfence.sel $0x180000  }
0x40: {  	s2 =	simm.s32 $0x1;
	[bflag:$0x0] =	sbarrier.arrive $0xFFFF  }
0x41: {  	s31 =	simm.s32 $0x2;
	[sflag:s2] =	ssyncpa.u1 $0x1  }
0x42: {  	[sflag:s31] =	ssyncpa.u1 $0x1  }
0x43: {  	p0 =	sne.s32 s0, $0x0;
	_ =	strace $0x9000004A  }
0x44: {  	s0 =	sadd.s32 @!p0 $0x100000, s1;
	[bflag:$0x2] =	sbarrier.arrive $0xFFFF  }
0x45: {  	[sflag:s0] =	ssyncadd.tile.s32 @!p0 $0x1;
	_ =	shalt  }
.Lfunc_end1:
_tile_overlayer_lowered:
.L_overlay_start_2:
0x46: {  	(tag) =	ssettag $0x2  }
0x47: {  	s0 =	rddreg [dreg:$0x0];
	s2 =	stileid.u32  }
0x48: {  	s1 =	rddreg [dreg:$0x1];
	p0 =	sne.s32 s2, $0x0  }
0x49: {  	s3 =	rddreg [dreg:$0x2];
	[bflag:$0x3] =	sbarrier.arrive $0xFFFF;
	s2 =	simm.s32 @!p0 $0x1C01  }
0x4a: {  	[timem:s3], [sflag:s2] =	dma.local @!p0 [hbm:s0], s1  }
0x4b: {  	s0 =	simm.s32 @!p0 $0x1  }
0x4c: {  	_ =	swait.ge @!p0 [sflag:s0], s1  }
0x4d: {  	s1 =	ssub.s32 @!p0 $0x0, s1;
	[sflag:s0] =	ssyncset.done @!p0 $0x0  }
0x4e: {  	[sflag:s0] =	ssyncadd.s32 @!p0 s1  }
0x4f: {  	[bflag:$0x3] =	sbarrier.arrive $0xFFFF  }
0x50: {  	_ =	shalt  }

</sc_bundles>
